<compile_context>
chip_gen: v7x
topology: tpu7x:2x2x1
jax: 0.10.2.dev20260603
libtpu: 0.0.44.dev20260713+nightly
codegen_flags: <defaults>
</compile_context>

<pallas_src>
import functools

import jax
import jax.numpy as jnp
from jax import lax
from jax.experimental import pallas as pl
from jax.experimental.pallas import tpu as pltpu
from jax.experimental.pallas import tpu_sc as plsc

_N_TIMESTEPS = 1000
_BETA_MIN = 0.0001
_BETA_MAX = 0.02
_BATCH = 16384
_NC = 2
_NS = 16
_L = 16
_NW = _NC * _NS
_CHUNK = _BATCH // _NW


def _body(t_hbm, raw_hbm, out_hbm, tab_v, t_v, out_v, idx_v, sem_a, sem_b, sem_o):
    wid = lax.axis_index("s") * _NC + lax.axis_index("c")
    base = wid * _CHUNK
    cp_tab = pltpu.async_copy(raw_hbm, tab_v, sem_a)
    cp_t = pltpu.async_copy(t_hbm.at[pl.ds(base, _CHUNK)], t_v, sem_b)
    cp_t.wait()
    for i in range(_CHUNK // _L):
        o = i * _L
        t16 = t_v[pl.ds(o, _L)]
        idx_v[pl.ds(o, _L)] = (t16 * float(_N_TIMESTEPS - 1)).astype(jnp.int32)
    cp_tab.wait()
    half = _CHUNK // 2
    out_cps = []
    for h in range(2):
        for i in range(half // _L):
            o = h * half + i * _L
            g16 = plsc.load_gather(tab_v, [idx_v[pl.ds(o, _L)]])
            out_v[pl.ds(o, _L)] = (
                (_BETA_MAX - _BETA_MIN) / (1.0 + jnp.exp(-g16)) + _BETA_MIN
            )
        out_cps.append(pltpu.async_copy(
            out_v.at[pl.ds(h * half, half)],
            out_hbm.at[pl.ds(base + h * half, half)], sem_o))
    for cp in out_cps:
        cp.wait()


@functools.partial(
    pl.kernel,
    out_type=jax.ShapeDtypeStruct((_BATCH,), jnp.float32),
    mesh=plsc.VectorSubcoreMesh(core_axis_name="c", subcore_axis_name="s"),
    compiler_params=pltpu.CompilerParams(
        needs_layout_passes=False,
        disable_bounds_checks=True,
        disable_semaphore_checks=True,
        skip_device_barrier=True,
        use_tc_tiling_on_sc=False,
    ),
    scratch_types=[
        pltpu.VMEM((_N_TIMESTEPS,), jnp.float32),
        pltpu.VMEM((_CHUNK,), jnp.float32),
        pltpu.VMEM((_CHUNK,), jnp.float32),
        pltpu.VMEM((_CHUNK,), jnp.int32),
        pltpu.SemaphoreType.DMA,
        pltpu.SemaphoreType.DMA,
        pltpu.SemaphoreType.DMA,
    ],
)
def _sc_noise_schedule(t_hbm, raw_hbm, out_hbm, tab_v, t_v, out_v, idx_v,
                       sem_a, sem_b, sem_o):
    _body(t_hbm, raw_hbm, out_hbm, tab_v, t_v, out_v, idx_v, sem_a, sem_b, sem_o)


def kernel(t_normalized, raw_betas):
    return _sc_noise_schedule(t_normalized, raw_betas)

# --- scband reference (transcript-rebuilt; emitter-appended) ---
"""Pipeline reference for scband-adaptive-noise-schedule-50096498541211 (READ-ONLY COPY).

The authoritative reference and input builder live on the scoring server;
editing this copy changes nothing except your own understanding.
"""

import jax, jax.numpy as jnp
import numpy as np

N_TIMESTEPS = 1000
BETA_MIN = 0.0001
BETA_MAX = 0.02
BATCH = 16384


def setup_inputs(seed: int = 0) -> dict:
    key = jax.random.key(seed)
    k1, _ = jax.random.split(key)
    t_normalized = jax.random.uniform(k1, (BATCH,), dtype=jnp.float32)
    # learned parameter: raw_betas, initialized as torch.linspace(-6, 6, n_timesteps)
    raw_betas = jnp.linspace(-6.0, 6.0, N_TIMESTEPS, dtype=jnp.float32)
    return {"t_normalized": t_normalized, "raw_betas": raw_betas}


def reference(t_normalized, raw_betas):
    # t_idx = (t_normalized * (n_timesteps - 1)).long()
    t_idx = (t_normalized * (N_TIMESTEPS - 1)).astype(jnp.int32)
    # get_all_betas(): sigmoid(raw_betas) * (beta_max - beta_min) + beta_min
    betas = jax.nn.sigmoid(raw_betas) * (BETA_MAX - BETA_MIN) + BETA_MIN
    # gather (embedding-style lookup)
    return jnp.take(betas, t_idx, axis=0)

if __name__ == "__main__":
    import jax
    _d = setup_inputs()
    print(jax.jit(kernel)(*tuple(_d.values())))

</pallas_src>

<mosaic_0001>
#map = affine_map<(d0, d1) -> (0)>
module attributes {stable_mosaic.version = 14 : i64} {
  func.func @_sc_noise_schedule(%arg0: i32, %arg1: i32, %arg2: memref<16384xf32, #tpu.memory_space<hbm>>, %arg3: memref<1000xf32, #tpu.memory_space<hbm>>, %arg4: memref<16384xf32, #tpu.memory_space<hbm>>, %arg5: memref<1000xf32, #tpu.memory_space<vmem>>, %arg6: memref<512xf32, #tpu.memory_space<vmem>>, %arg7: memref<512xf32, #tpu.memory_space<vmem>>, %arg8: memref<512xi32, #tpu.memory_space<vmem>>, %arg9: memref<!tpu.dma_semaphore, #tpu.memory_space<semaphore_mem>>, %arg10: memref<!tpu.dma_semaphore, #tpu.memory_space<semaphore_mem>>, %arg11: memref<!tpu.dma_semaphore, #tpu.memory_space<semaphore_mem>>) attributes {dimension_semantics = [#tpu.dimension_semantics<core_parallel>, #tpu.dimension_semantics<subcore_parallel>], iteration_bounds = array<i64: 2, 16>, scalar_prefetch = 0 : i64, scratch_operands = 7 : i64, tpu.core_type = #tpu.core_type<sc_vector_subcore>, window_params = [{transform_indices = #map}, {transform_indices = #map}, {transform_indices = #map}]} {
    %mul3A = arith.constant 2 : i32
    %mul3A_0 = arith.muli %arg1, %mul3A : i32
    %add3A = arith.addi %mul3A_0, %arg0 : i32
    %mul3A_1 = arith.constant 512 : i32
    %mul3A_2 = arith.muli %add3A, %mul3A_1 : i32
    tpu.enqueue_dma source(%arg3 : memref<1000xf32, #tpu.memory_space<hbm>>) target(%arg5 : memref<1000xf32, #tpu.memory_space<vmem>>) target_semaphore(%arg9 : memref<!tpu.dma_semaphore, #tpu.memory_space<semaphore_mem>>)
    %dma_start3A = tpu.memref_slice %arg2[%mul3A_2] : memref<16384xf32, #tpu.memory_space<hbm>> -> memref<512xf32, #tpu.memory_space<hbm>>
    %dma_start3A_3 = tpu.memref_slice %arg2[%mul3A_2] : memref<16384xf32, #tpu.memory_space<hbm>> -> memref<512xf32, #tpu.memory_space<hbm>>
    tpu.enqueue_dma source(%dma_start3A_3 : memref<512xf32, #tpu.memory_space<hbm>>) target(%arg6 : memref<512xf32, #tpu.memory_space<vmem>>) target_semaphore(%arg10 : memref<!tpu.dma_semaphore, #tpu.memory_space<semaphore_mem>>)
    %dma_wait3A = tpu.memref_slice %arg2[%mul3A_2] : memref<16384xf32, #tpu.memory_space<hbm>> -> memref<512xf32, #tpu.memory_space<hbm>>
    %dma_wait3A_4 = tpu.memref_slice %arg2[%mul3A_2] : memref<16384xf32, #tpu.memory_space<hbm>> -> memref<512xf32, #tpu.memory_space<hbm>>
    tpu.wait_dma2 semaphore(%arg10 : memref<!tpu.dma_semaphore, #tpu.memory_space<semaphore_mem>>) src(%dma_wait3A_4 : memref<512xf32, #tpu.memory_space<hbm>>) dst(%arg6 : memref<512xf32, #tpu.memory_space<vmem>>)
    %get3A = arith.constant 0 : index
    %get3A_5 = tpu.vector_load %arg6[%get3A] {strides = array<i32>} : memref<512xf32, #tpu.memory_space<vmem>>, vector<16xf32>,
    %mul3A_6 = arith.constant 9.990000e+02 : f32
    %mul3A_7 = vector.broadcast %mul3A_6 : f32 to vector<16xf32>
    %mul3A_8 = arith.mulf %get3A_5, %mul3A_7 : vector<16xf32>
    %convert_element_type3A = arith.fptosi %mul3A_8 : vector<16xf32> to vector<16xi32>
    %swap3A = arith.constant 0 : index
    %swap3A_9 = tpu.vector_load %arg8[%swap3A] {strides = array<i32>} : memref<512xi32, #tpu.memory_space<vmem>>, vector<16xi32>,
    tpu.vector_store %arg8[%swap3A], %convert_element_type3A {strides = array<i32>} : memref<512xi32, #tpu.memory_space<vmem>>, vector<16xi32>,
    %get3A_10 = arith.constant 16 : index
    %get3A_11 = tpu.vector_load %arg6[%get3A_10] {strides = array<i32>} : memref<512xf32, #tpu.memory_space<vmem>>, vector<16xf32>,
    %mul3A_12 = arith.constant 9.990000e+02 : f32
    %mul3A_13 = vector.broadcast %mul3A_12 : f32 to vector<16xf32>
    %mul3A_14 = arith.mulf %get3A_11, %mul3A_13 : vector<16xf32>
    %convert_element_type3A_15 = arith.fptosi %mul3A_14 : vector<16xf32> to vector<16xi32>
    %swap3A_16 = arith.constant 16 : index
    %swap3A_17 = tpu.vector_load %arg8[%swap3A_16] {strides = array<i32>} : memref<512xi32, #tpu.memory_space<vmem>>, vector<16xi32>,
    tpu.vector_store %arg8[%swap3A_16], %convert_element_type3A_15 {strides = array<i32>} : memref<512xi32, #tpu.memory_space<vmem>>, vector<16xi32>,
    %get3A_18 = arith.constant 32 : index
    %get3A_19 = tpu.vector_load %arg6[%get3A_18] {strides = array<i32>} : memref<512xf32, #tpu.memory_space<vmem>>, vector<16xf32>,
    %mul3A_20 = arith.constant 9.990000e+02 : f32
    %mul3A_21 = vector.broadcast %mul3A_20 : f32 to vector<16xf32>
    %mul3A_22 = arith.mulf %get3A_19, %mul3A_21 : vector<16xf32>
    %convert_element_type3A_23 = arith.fptosi %mul3A_22 : vector<16xf32> to vector<16xi32>
    %swap3A_24 = arith.constant 32 : index
    %swap3A_25 = tpu.vector_load %arg8[%swap3A_24] {strides = array<i32>} : memref<512xi32, #tpu.memory_space<vmem>>, vector<16xi32>,
    tpu.vector_store %arg8[%swap3A_24], %convert_element_type3A_23 {strides = array<i32>} : memref<512xi32, #tpu.memory_space<vmem>>, vector<16xi32>,
    %get3A_26 = arith.constant 48 : index
    %get3A_27 = tpu.vector_load %arg6[%get3A_26] {strides = array<i32>} : memref<512xf32, #tpu.memory_space<vmem>>, vector<16xf32>,
    %mul3A_28 = arith.constant 9.990000e+02 : f32
    %mul3A_29 = vector.broadcast %mul3A_28 : f32 to vector<16xf32>
    %mul3A_30 = arith.mulf %get3A_27, %mul3A_29 : vector<16xf32>
    %convert_element_type3A_31 = arith.fptosi %mul3A_30 : vector<16xf32> to vector<16xi32>
    %swap3A_32 = arith.constant 48 : index
    %swap3A_33 = tpu.vector_load %arg8[%swap3A_32] {strides = array<i32>} : memref<512xi32, #tpu.memory_space<vmem>>, vector<16xi32>,
    tpu.vector_store %arg8[%swap3A_32], %convert_element_type3A_31 {strides = array<i32>} : memref<512xi32, #tpu.memory_space<vmem>>, vector<16xi32>,
    %get3A_34 = arith.constant 64 : index
    %get3A_35 = tpu.vector_load %arg6[%get3A_34] {strides = array<i32>} : memref<512xf32, #tpu.memory_space<vmem>>, vector<16xf32>,
    %mul3A_36 = arith.constant 9.990000e+02 : f32
    %mul3A_37 = vector.broadcast %mul3A_36 : f32 to vector<16xf32>
    %mul3A_38 = arith.mulf %get3A_35, %mul3A_37 : vector<16xf32>
    %convert_element_type3A_39 = arith.fptosi %mul3A_38 : vector<16xf32> to vector<16xi32>
    %swap3A_40 = arith.constant 64 : index
    %swap3A_41 = tpu.vector_load %arg8[%swap3A_40] {strides = array<i32>} : memref<512xi32, #tpu.memory_space<vmem>>, vector<16xi32>,
    tpu.vector_store %arg8[%swap3A_40], %convert_element_type3A_39 {strides = array<i32>} : memref<512xi32, #tpu.memory_space<vmem>>, vector<16xi32>,
    %get3A_42 = arith.constant 80 : index
    %get3A_43 = tpu.vector_load %arg6[%get3A_42] {strides = array<i32>} : memref<512xf32, #tpu.memory_space<vmem>>, vector<16xf32>,
    %mul3A_44 = arith.constant 9.990000e+02 : f32
    %mul3A_45 = vector.broadcast %mul3A_44 : f32 to vector<16xf32>
    %mul3A_46 = arith.mulf %get3A_43, %mul3A_45 : vector<16xf32>
    %convert_element_type3A_47 = arith.fptosi %mul3A_46 : vector<16xf32> to vector<16xi32>
    %swap3A_48 = arith.constant 80 : index
    %swap3A_49 = tpu.vector_load %arg8[%swap3A_48] {strides = array<i32>} : memref<512xi32, #tpu.memory_space<vmem>>, vector<16xi32>,
    tpu.vector_store %arg8[%swap3A_48], %convert_element_type3A_47 {strides = array<i32>} : memref<512xi32, #tpu.memory_space<vmem>>, vector<16xi32>,
    %get3A_50 = arith.constant 96 : index
    %get3A_51 = tpu.vector_load %arg6[%get3A_50] {strides = array<i32>} : memref<512xf32, #tpu.memory_space<vmem>>, vector<16xf32>,
    %mul3A_52 = arith.constant 9.990000e+02 : f32
    %mul3A_53 = vector.broadcast %mul3A_52 : f32 to vector<16xf32>
    %mul3A_54 = arith.mulf %get3A_51, %mul3A_53 : vector<16xf32>
    %convert_element_type3A_55 = arith.fptosi %mul3A_54 : vector<16xf32> to vector<16xi32>
    %swap3A_56 = arith.constant 96 : index
    %swap3A_57 = tpu.vector_load %arg8[%swap3A_56] {strides = array<i32>} : memref<512xi32, #tpu.memory_space<vmem>>, vector<16xi32>,
    tpu.vector_store %arg8[%swap3A_56], %convert_element_type3A_55 {strides = array<i32>} : memref<512xi32, #tpu.memory_space<vmem>>, vector<16xi32>,
    %get3A_58 = arith.constant 112 : index
    %get3A_59 = tpu.vector_load %arg6[%get3A_58] {strides = array<i32>} : memref<512xf32, #tpu.memory_space<vmem>>, vector<16xf32>,
    %mul3A_60 = arith.constant 9.990000e+02 : f32
    %mul3A_61 = vector.broadcast %mul3A_60 : f32 to vector<16xf32>
    %mul3A_62 = arith.mulf %get3A_59, %mul3A_61 : vector<16xf32>
    %convert_element_type3A_63 = arith.fptosi %mul3A_62 : vector<16xf32> to vector<16xi32>
    %swap3A_64 = arith.constant 112 : index
    %swap3A_65 = tpu.vector_load %arg8[%swap3A_64] {strides = array<i32>} : memref<512xi32, #tpu.memory_space<vmem>>, vector<16xi32>,
    tpu.vector_store %arg8[%swap3A_64], %convert_element_type3A_63 {strides = array<i32>} : memref<512xi32, #tpu.memory_space<vmem>>, vector<16xi32>,
    %get3A_66 = arith.constant 128 : index
    %get3A_67 = tpu.vector_load %arg6[%get3A_66] {strides = array<i32>} : memref<512xf32, #tpu.memory_space<vmem>>, vector<16xf32>,
    %mul3A_68 = arith.constant 9.990000e+02 : f32
    %mul3A_69 = vector.broadcast %mul3A_68 : f32 to vector<16xf32>
    %mul3A_70 = arith.mulf %get3A_67, %mul3A_69 : vector<16xf32>
    %convert_element_type3A_71 = arith.fptosi %mul3A_70 : vector<16xf32> to vector<16xi32>
    %swap3A_72 = arith.constant 128 : index
    %swap3A_73 = tpu.vector_load %arg8[%swap3A_72] {strides = array<i32>} : memref<512xi32, #tpu.memory_space<vmem>>, vector<16xi32>,
    tpu.vector_store %arg8[%swap3A_72], %convert_element_type3A_71 {strides = array<i32>} : memref<512xi32, #tpu.memory_space<vmem>>, vector<16xi32>,
    %get3A_74 = arith.constant 144 : index
    %get3A_75 = tpu.vector_load %arg6[%get3A_74] {strides = array<i32>} : memref<512xf32, #tpu.memory_space<vmem>>, vector<16xf32>,
    %mul3A_76 = arith.constant 9.990000e+02 : f32
    %mul3A_77 = vector.broadcast %mul3A_76 : f32 to vector<16xf32>
    %mul3A_78 = arith.mulf %get3A_75, %mul3A_77 : vector<16xf32>
    %convert_element_type3A_79 = arith.fptosi %mul3A_78 : vector<16xf32> to vector<16xi32>
    %swap3A_80 = arith.constant 144 : index
    %swap3A_81 = tpu.vector_load %arg8[%swap3A_80] {strides = array<i32>} : memref<512xi32, #tpu.memory_space<vmem>>, vector<16xi32>,
    tpu.vector_store %arg8[%swap3A_80], %convert_element_type3A_79 {strides = array<i32>} : memref<512xi32, #tpu.memory_space<vmem>>, vector<16xi32>,
    %get3A_82 = arith.constant 160 : index
    %get3A_83 = tpu.vector_load %arg6[%get3A_82] {strides = array<i32>} : memref<512xf32, #tpu.memory_space<vmem>>, vector<16xf32>,
    %mul3A_84 = arith.constant 9.990000e+02 : f32
    %mul3A_85 = vector.broadcast %mul3A_84 : f32 to vector<16xf32>
    %mul3A_86 = arith.mulf %get3A_83, %mul3A_85 : vector<16xf32>
    %convert_element_type3A_87 = arith.fptosi %mul3A_86 : vector<16xf32> to vector<16xi32>
    %swap3A_88 = arith.constant 160 : index
    %swap3A_89 = tpu.vector_load %arg8[%swap3A_88] {strides = array<i32>} : memref<512xi32, #tpu.memory_space<vmem>>, vector<16xi32>,
    tpu.vector_store %arg8[%swap3A_88], %convert_element_type3A_87 {strides = array<i32>} : memref<512xi32, #tpu.memory_space<vmem>>, vector<16xi32>,
    %get3A_90 = arith.constant 176 : index
    %get3A_91 = tpu.vector_load %arg6[%get3A_90] {strides = array<i32>} : memref<512xf32, #tpu.memory_space<vmem>>, vector<16xf32>,
    %mul3A_92 = arith.constant 9.990000e+02 : f32
    %mul3A_93 = vector.broadcast %mul3A_92 : f32 to vector<16xf32>
    %mul3A_94 = arith.mulf %get3A_91, %mul3A_93 : vector<16xf32>
    %convert_element_type3A_95 = arith.fptosi %mul3A_94 : vector<16xf32> to vector<16xi32>
    %swap3A_96 = arith.constant 176 : index
    %swap3A_97 = tpu.vector_load %arg8[%swap3A_96] {strides = array<i32>} : memref<512xi32, #tpu.memory_space<vmem>>, vector<16xi32>,
    tpu.vector_store %arg8[%swap3A_96], %convert_element_type3A_95 {strides = array<i32>} : memref<512xi32, #tpu.memory_space<vmem>>, vector<16xi32>,
    %get3A_98 = arith.constant 192 : index
    %get3A_99 = tpu.vector_load %arg6[%get3A_98] {strides = array<i32>} : memref<512xf32, #tpu.memory_space<vmem>>, vector<16xf32>,
    %mul3A_100 = arith.constant 9.990000e+02 : f32
    %mul3A_101 = vector.broadcast %mul3A_100 : f32 to vector<16xf32>
    %mul3A_102 = arith.mulf %get3A_99, %mul3A_101 : vector<16xf32>
    %convert_element_type3A_103 = arith.fptosi %mul3A_102 : vector<16xf32> to vector<16xi32>
    %swap3A_104 = arith.constant 192 : index
    %swap3A_105 = tpu.vector_load %arg8[%swap3A_104] {strides = array<i32>} : memref<512xi32, #tpu.memory_space<vmem>>, vector<16xi32>,
    tpu.vector_store %arg8[%swap3A_104], %convert_element_type3A_103 {strides = array<i32>} : memref<512xi32, #tpu.memory_space<vmem>>, vector<16xi32>,
    %get3A_106 = arith.constant 208 : index
    %get3A_107 = tpu.vector_load %arg6[%get3A_106] {strides = array<i32>} : memref<512xf32, #tpu.memory_space<vmem>>, vector<16xf32>,
    %mul3A_108 = arith.constant 9.990000e+02 : f32
    %mul3A_109 = vector.broadcast %mul3A_108 : f32 to vector<16xf32>
    %mul3A_110 = arith.mulf %get3A_107, %mul3A_109 : vector<16xf32>
    %convert_element_type3A_111 = arith.fptosi %mul3A_110 : vector<16xf32> to vector<16xi32>
    %swap3A_112 = arith.constant 208 : index
    %swap3A_113 = tpu.vector_load %arg8[%swap3A_112] {strides = array<i32>} : memref<512xi32, #tpu.memory_space<vmem>>, vector<16xi32>,
    tpu.vector_store %arg8[%swap3A_112], %convert_element_type3A_111 {strides = array<i32>} : memref<512xi32, #tpu.memory_space<vmem>>, vector<16xi32>,
    %get3A_114 = arith.constant 224 : index
    %get3A_115 = tpu.vector_load %arg6[%get3A_114] {strides = array<i32>} : memref<512xf32, #tpu.memory_space<vmem>>, vector<16xf32>,
    %mul3A_116 = arith.constant 9.990000e+02 : f32
    %mul3A_117 = vector.broadcast %mul3A_116 : f32 to vector<16xf32>
    %mul3A_118 = arith.mulf %get3A_115, %mul3A_117 : vector<16xf32>
    %convert_element_type3A_119 = arith.fptosi %mul3A_118 : vector<16xf32> to vector<16xi32>
    %swap3A_120 = arith.constant 224 : index
    %swap3A_121 = tpu.vector_load %arg8[%swap3A_120] {strides = array<i32>} : memref<512xi32, #tpu.memory_space<vmem>>, vector<16xi32>,
    tpu.vector_store %arg8[%swap3A_120], %convert_element_type3A_119 {strides = array<i32>} : memref<512xi32, #tpu.memory_space<vmem>>, vector<16xi32>,
    %get3A_122 = arith.constant 240 : index
    %get3A_123 = tpu.vector_load %arg6[%get3A_122] {strides = array<i32>} : memref<512xf32, #tpu.memory_space<vmem>>, vector<16xf32>,
    %mul3A_124 = arith.constant 9.990000e+02 : f32
    %mul3A_125 = vector.broadcast %mul3A_124 : f32 to vector<16xf32>
    %mul3A_126 = arith.mulf %get3A_123, %mul3A_125 : vector<16xf32>
    %convert_element_type3A_127 = arith.fptosi %mul3A_126 : vector<16xf32> to vector<16xi32>
    %swap3A_128 = arith.constant 240 : index
    %swap3A_129 = tpu.vector_load %arg8[%swap3A_128] {strides = array<i32>} : memref<512xi32, #tpu.memory_space<vmem>>, vector<16xi32>,
    tpu.vector_store %arg8[%swap3A_128], %convert_element_type3A_127 {strides = array<i32>} : memref<512xi32, #tpu.memory_space<vmem>>, vector<16xi32>,
    %get3A_130 = arith.constant 256 : index
    %get3A_131 = tpu.vector_load %arg6[%get3A_130] {strides = array<i32>} : memref<512xf32, #tpu.memory_space<vmem>>, vector<16xf32>,
    %mul3A_132 = arith.constant 9.990000e+02 : f32
    %mul3A_133 = vector.broadcast %mul3A_132 : f32 to vector<16xf32>
    %mul3A_134 = arith.mulf %get3A_131, %mul3A_133 : vector<16xf32>
    %convert_element_type3A_135 = arith.fptosi %mul3A_134 : vector<16xf32> to vector<16xi32>
    %swap3A_136 = arith.constant 256 : index
    %swap3A_137 = tpu.vector_load %arg8[%swap3A_136] {strides = array<i32>} : memref<512xi32, #tpu.memory_space<vmem>>, vector<16xi32>,
    tpu.vector_store %arg8[%swap3A_136], %convert_element_type3A_135 {strides = array<i32>} : memref<512xi32, #tpu.memory_space<vmem>>, vector<16xi32>,
    %get3A_138 = arith.constant 272 : index
    %get3A_139 = tpu.vector_load %arg6[%get3A_138] {strides = array<i32>} : memref<512xf32, #tpu.memory_space<vmem>>, vector<16xf32>,
    %mul3A_140 = arith.constant 9.990000e+02 : f32
    %mul3A_141 = vector.broadcast %mul3A_140 : f32 to vector<16xf32>
    %mul3A_142 = arith.mulf %get3A_139, %mul3A_141 : vector<16xf32>
    %convert_element_type3A_143 = arith.fptosi %mul3A_142 : vector<16xf32> to vector<16xi32>
    %swap3A_144 = arith.constant 272 : index
    %swap3A_145 = tpu.vector_load %arg8[%swap3A_144] {strides = array<i32>} : memref<512xi32, #tpu.memory_space<vmem>>, vector<16xi32>,
    tpu.vector_store %arg8[%swap3A_144], %convert_element_type3A_143 {strides = array<i32>} : memref<512xi32, #tpu.memory_space<vmem>>, vector<16xi32>,
    %get3A_146 = arith.constant 288 : index
    %get3A_147 = tpu.vector_load %arg6[%get3A_146] {strides = array<i32>} : memref<512xf32, #tpu.memory_space<vmem>>, vector<16xf32>,
    %mul3A_148 = arith.constant 9.990000e+02 : f32
    %mul3A_149 = vector.broadcast %mul3A_148 : f32 to vector<16xf32>
    %mul3A_150 = arith.mulf %get3A_147, %mul3A_149 : vector<16xf32>
    %convert_element_type3A_151 = arith.fptosi %mul3A_150 : vector<16xf32> to vector<16xi32>
    %swap3A_152 = arith.constant 288 : index
    %swap3A_153 = tpu.vector_load %arg8[%swap3A_152] {strides = array<i32>} : memref<512xi32, #tpu.memory_space<vmem>>, vector<16xi32>,
    tpu.vector_store %arg8[%swap3A_152], %convert_element_type3A_151 {strides = array<i32>} : memref<512xi32, #tpu.memory_space<vmem>>, vector<16xi32>,
    %get3A_154 = arith.constant 304 : index
    %get3A_155 = tpu.vector_load %arg6[%get3A_154] {strides = array<i32>} : memref<512xf32, #tpu.memory_space<vmem>>, vector<16xf32>,
    %mul3A_156 = arith.constant 9.990000e+02 : f32
    %mul3A_157 = vector.broadcast %mul3A_156 : f32 to vector<16xf32>
    %mul3A_158 = arith.mulf %get3A_155, %mul3A_157 : vector<16xf32>
    %convert_element_type3A_159 = arith.fptosi %mul3A_158 : vector<16xf32> to vector<16xi32>
    %swap3A_160 = arith.constant 304 : index
    %swap3A_161 = tpu.vector_load %arg8[%swap3A_160] {strides = array<i32>} : memref<512xi32, #tpu.memory_space<vmem>>, vector<16xi32>,
    tpu.vector_store %arg8[%swap3A_160], %convert_element_type3A_159 {strides = array<i32>} : memref<512xi32, #tpu.memory_space<vmem>>, vector<16xi32>,
    %get3A_162 = arith.constant 320 : index
    %get3A_163 = tpu.vector_load %arg6[%get3A_162] {strides = array<i32>} : memref<512xf32, #tpu.memory_space<vmem>>, vector<16xf32>,
    %mul3A_164 = arith.constant 9.990000e+02 : f32
    %mul3A_165 = vector.broadcast %mul3A_164 : f32 to vector<16xf32>
    %mul3A_166 = arith.mulf %get3A_163, %mul3A_165 : vector<16xf32>
    %convert_element_type3A_167 = arith.fptosi %mul3A_166 : vector<16xf32> to vector<16xi32>
    %swap3A_168 = arith.constant 320 : index
    %swap3A_169 = tpu.vector_load %arg8[%swap3A_168] {strides = array<i32>} : memref<512xi32, #tpu.memory_space<vmem>>, vector<16xi32>,
    tpu.vector_store %arg8[%swap3A_168], %convert_element_type3A_167 {strides = array<i32>} : memref<512xi32, #tpu.memory_space<vmem>>, vector<16xi32>,
    %get3A_170 = arith.constant 336 : index
    %get3A_171 = tpu.vector_load %arg6[%get3A_170] {strides = array<i32>} : memref<512xf32, #tpu.memory_space<vmem>>, vector<16xf32>,
    %mul3A_172 = arith.constant 9.990000e+02 : f32
    %mul3A_173 = vector.broadcast %mul3A_172 : f32 to vector<16xf32>
    %mul3A_174 = arith.mulf %get3A_171, %mul3A_173 : vector<16xf32>
    %convert_element_type3A_175 = arith.fptosi %mul3A_174 : vector<16xf32> to vector<16xi32>
    %swap3A_176 = arith.constant 336 : index
    %swap3A_177 = tpu.vector_load %arg8[%swap3A_176] {strides = array<i32>} : memref<512xi32, #tpu.memory_space<vmem>>, vector<16xi32>,
    tpu.vector_store %arg8[%swap3A_176], %convert_element_type3A_175 {strides = array<i32>} : memref<512xi32, #tpu.memory_space<vmem>>, vector<16xi32>,
    %get3A_178 = arith.constant 352 : index
    %get3A_179 = tpu.vector_load %arg6[%get3A_178] {strides = array<i32>} : memref<512xf32, #tpu.memory_space<vmem>>, vector<16xf32>,
    %mul3A_180 = arith.constant 9.990000e+02 : f32
    %mul3A_181 = vector.broadcast %mul3A_180 : f32 to vector<16xf32>
    %mul3A_182 = arith.mulf %get3A_179, %mul3A_181 : vector<16xf32>
    %convert_element_type3A_183 = arith.fptosi %mul3A_182 : vector<16xf32> to vector<16xi32>
    %swap3A_184 = arith.constant 352 : index
    %swap3A_185 = tpu.vector_load %arg8[%swap3A_184] {strides = array<i32>} : memref<512xi32, #tpu.memory_space<vmem>>, vector<16xi32>,
    tpu.vector_store %arg8[%swap3A_184], %convert_element_type3A_183 {strides = array<i32>} : memref<512xi32, #tpu.memory_space<vmem>>, vector<16xi32>,
    %get3A_186 = arith.constant 368 : index
    %get3A_187 = tpu.vector_load %arg6[%get3A_186] {strides = array<i32>} : memref<512xf32, #tpu.memory_space<vmem>>, vector<16xf32>,
    %mul3A_188 = arith.constant 9.990000e+02 : f32
    %mul3A_189 = vector.broadcast %mul3A_188 : f32 to vector<16xf32>
    %mul3A_190 = arith.mulf %get3A_187, %mul3A_189 : vector<16xf32>
    %convert_element_type3A_191 = arith.fptosi %mul3A_190 : vector<16xf32> to vector<16xi32>
    %swap3A_192 = arith.constant 368 : index
    %swap3A_193 = tpu.vector_load %arg8[%swap3A_192] {strides = array<i32>} : memref<512xi32, #tpu.memory_space<vmem>>, vector<16xi32>,
    tpu.vector_store %arg8[%swap3A_192], %convert_element_type3A_191 {strides = array<i32>} : memref<512xi32, #tpu.memory_space<vmem>>, vector<16xi32>,
    %get3A_194 = arith.constant 384 : index
    %get3A_195 = tpu.vector_load %arg6[%get3A_194] {strides = array<i32>} : memref<512xf32, #tpu.memory_space<vmem>>, vector<16xf32>,
    %mul3A_196 = arith.constant 9.990000e+02 : f32
    %mul3A_197 = vector.broadcast %mul3A_196 : f32 to vector<16xf32>
    %mul3A_198 = arith.mulf %get3A_195, %mul3A_197 : vector<16xf32>
    %convert_element_type3A_199 = arith.fptosi %mul3A_198 : vector<16xf32> to vector<16xi32>
    %swap3A_200 = arith.constant 384 : index
    %swap3A_201 = tpu.vector_load %arg8[%swap3A_200] {strides = array<i32>} : memref<512xi32, #tpu.memory_space<vmem>>, vector<16xi32>,
    tpu.vector_store %arg8[%swap3A_200], %convert_element_type3A_199 {strides = array<i32>} : memref<512xi32, #tpu.memory_space<vmem>>, vector<16xi32>,
    %get3A_202 = arith.constant 400 : index
    %get3A_203 = tpu.vector_load %arg6[%get3A_202] {strides = array<i32>} : memref<512xf32, #tpu.memory_space<vmem>>, vector<16xf32>,
    %mul3A_204 = arith.constant 9.990000e+02 : f32
    %mul3A_205 = vector.broadcast %mul3A_204 : f32 to vector<16xf32>
    %mul3A_206 = arith.mulf %get3A_203, %mul3A_205 : vector<16xf32>
    %convert_element_type3A_207 = arith.fptosi %mul3A_206 : vector<16xf32> to vector<16xi32>
    %swap3A_208 = arith.constant 400 : index
    %swap3A_209 = tpu.vector_load %arg8[%swap3A_208] {strides = array<i32>} : memref<512xi32, #tpu.memory_space<vmem>>, vector<16xi32>,
    tpu.vector_store %arg8[%swap3A_208], %convert_element_type3A_207 {strides = array<i32>} : memref<512xi32, #tpu.memory_space<vmem>>, vector<16xi32>,
    %get3A_210 = arith.constant 416 : index
    %get3A_211 = tpu.vector_load %arg6[%get3A_210] {strides = array<i32>} : memref<512xf32, #tpu.memory_space<vmem>>, vector<16xf32>,
    %mul3A_212 = arith.constant 9.990000e+02 : f32
    %mul3A_213 = vector.broadcast %mul3A_212 : f32 to vector<16xf32>
    %mul3A_214 = arith.mulf %get3A_211, %mul3A_213 : vector<16xf32>
    %convert_element_type3A_215 = arith.fptosi %mul3A_214 : vector<16xf32> to vector<16xi32>
    %swap3A_216 = arith.constant 416 : index
    %swap3A_217 = tpu.vector_load %arg8[%swap3A_216] {strides = array<i32>} : memref<512xi32, #tpu.memory_space<vmem>>, vector<16xi32>,
    tpu.vector_store %arg8[%swap3A_216], %convert_element_type3A_215 {strides = array<i32>} : memref<512xi32, #tpu.memory_space<vmem>>, vector<16xi32>,
    %get3A_218 = arith.constant 432 : index
    %get3A_219 = tpu.vector_load %arg6[%get3A_218] {strides = array<i32>} : memref<512xf32, #tpu.memory_space<vmem>>, vector<16xf32>,
    %mul3A_220 = arith.constant 9.990000e+02 : f32
    %mul3A_221 = vector.broadcast %mul3A_220 : f32 to vector<16xf32>
    %mul3A_222 = arith.mulf %get3A_219, %mul3A_221 : vector<16xf32>
    %convert_element_type3A_223 = arith.fptosi %mul3A_222 : vector<16xf32> to vector<16xi32>
    %swap3A_224 = arith.constant 432 : index
    %swap3A_225 = tpu.vector_load %arg8[%swap3A_224] {strides = array<i32>} : memref<512xi32, #tpu.memory_space<vmem>>, vector<16xi32>,
    tpu.vector_store %arg8[%swap3A_224], %convert_element_type3A_223 {strides = array<i32>} : memref<512xi32, #tpu.memory_space<vmem>>, vector<16xi32>,
    %get3A_226 = arith.constant 448 : index
    %get3A_227 = tpu.vector_load %arg6[%get3A_226] {strides = array<i32>} : memref<512xf32, #tpu.memory_space<vmem>>, vector<16xf32>,
    %mul3A_228 = arith.constant 9.990000e+02 : f32
    %mul3A_229 = vector.broadcast %mul3A_228 : f32 to vector<16xf32>
    %mul3A_230 = arith.mulf %get3A_227, %mul3A_229 : vector<16xf32>
    %convert_element_type3A_231 = arith.fptosi %mul3A_230 : vector<16xf32> to vector<16xi32>
    %swap3A_232 = arith.constant 448 : index
    %swap3A_233 = tpu.vector_load %arg8[%swap3A_232] {strides = array<i32>} : memref<512xi32, #tpu.memory_space<vmem>>, vector<16xi32>,
    tpu.vector_store %arg8[%swap3A_232], %convert_element_type3A_231 {strides = array<i32>} : memref<512xi32, #tpu.memory_space<vmem>>, vector<16xi32>,
    %get3A_234 = arith.constant 464 : index
    %get3A_235 = tpu.vector_load %arg6[%get3A_234] {strides = array<i32>} : memref<512xf32, #tpu.memory_space<vmem>>, vector<16xf32>,
    %mul3A_236 = arith.constant 9.990000e+02 : f32
    %mul3A_237 = vector.broadcast %mul3A_236 : f32 to vector<16xf32>
    %mul3A_238 = arith.mulf %get3A_235, %mul3A_237 : vector<16xf32>
    %convert_element_type3A_239 = arith.fptosi %mul3A_238 : vector<16xf32> to vector<16xi32>
    %swap3A_240 = arith.constant 464 : index
    %swap3A_241 = tpu.vector_load %arg8[%swap3A_240] {strides = array<i32>} : memref<512xi32, #tpu.memory_space<vmem>>, vector<16xi32>,
    tpu.vector_store %arg8[%swap3A_240], %convert_element_type3A_239 {strides = array<i32>} : memref<512xi32, #tpu.memory_space<vmem>>, vector<16xi32>,
    %get3A_242 = arith.constant 480 : index
    %get3A_243 = tpu.vector_load %arg6[%get3A_242] {strides = array<i32>} : memref<512xf32, #tpu.memory_space<vmem>>, vector<16xf32>,
    %mul3A_244 = arith.constant 9.990000e+02 : f32
    %mul3A_245 = vector.broadcast %mul3A_244 : f32 to vector<16xf32>
    %mul3A_246 = arith.mulf %get3A_243, %mul3A_245 : vector<16xf32>
    %convert_element_type3A_247 = arith.fptosi %mul3A_246 : vector<16xf32> to vector<16xi32>
    %swap3A_248 = arith.constant 480 : index
    %swap3A_249 = tpu.vector_load %arg8[%swap3A_248] {strides = array<i32>} : memref<512xi32, #tpu.memory_space<vmem>>, vector<16xi32>,
    tpu.vector_store %arg8[%swap3A_248], %convert_element_type3A_247 {strides = array<i32>} : memref<512xi32, #tpu.memory_space<vmem>>, vector<16xi32>,
    %get3A_250 = arith.constant 496 : index
    %get3A_251 = tpu.vector_load %arg6[%get3A_250] {strides = array<i32>} : memref<512xf32, #tpu.memory_space<vmem>>, vector<16xf32>,
    %mul3A_252 = arith.constant 9.990000e+02 : f32
    %mul3A_253 = vector.broadcast %mul3A_252 : f32 to vector<16xf32>
    %mul3A_254 = arith.mulf %get3A_251, %mul3A_253 : vector<16xf32>
    %convert_element_type3A_255 = arith.fptosi %mul3A_254 : vector<16xf32> to vector<16xi32>
    %swap3A_256 = arith.constant 496 : index
    %swap3A_257 = tpu.vector_load %arg8[%swap3A_256] {strides = array<i32>} : memref<512xi32, #tpu.memory_space<vmem>>, vector<16xi32>,
    tpu.vector_store %arg8[%swap3A_256], %convert_element_type3A_255 {strides = array<i32>} : memref<512xi32, #tpu.memory_space<vmem>>, vector<16xi32>,
    tpu.wait_dma2 semaphore(%arg9 : memref<!tpu.dma_semaphore, #tpu.memory_space<semaphore_mem>>) src(%arg3 : memref<1000xf32, #tpu.memory_space<hbm>>) dst(%arg5 : memref<1000xf32, #tpu.memory_space<vmem>>)
    %get3A_258 = arith.constant 0 : index
    %get3A_259 = tpu.vector_load %arg8[%get3A_258] {strides = array<i32>} : memref<512xi32, #tpu.memory_space<vmem>>, vector<16xi32>,
    %gather3A = tpu.vector_load_idx %arg5[%get3A_259] : memref<1000xf32, #tpu.memory_space<vmem>>[vector<16xi32>], vector<16xf32>,
    %neg3A = arith.constant 0.000000e+00 : f32
    %neg3A_260 = vector.broadcast %neg3A : f32 to vector<16xf32>
    %neg3A_261 = arith.subf %neg3A_260, %gather3A : vector<16xf32>
    %exp3A = math.exp %neg3A_261 : vector<16xf32>
    %add3A_262 = arith.constant 1.000000e+00 : f32
    %add3A_263 = vector.broadcast %add3A_262 : f32 to vector<16xf32>
    %add3A_264 = arith.addf %add3A_263, %exp3A : vector<16xf32>
    %div3A = arith.constant 1.990000e-02 : f32
    %div3A_265 = vector.broadcast %div3A : f32 to vector<16xf32>
    %div3A_266 = arith.divf %div3A_265, %add3A_264 : vector<16xf32>
    %add3A_267 = arith.constant 9.99999974E-5 : f32
    %add3A_268 = vector.broadcast %add3A_267 : f32 to vector<16xf32>
    %add3A_269 = arith.addf %div3A_266, %add3A_268 : vector<16xf32>
    %swap3A_270 = arith.constant 0 : index
    %swap3A_271 = tpu.vector_load %arg7[%swap3A_270] {strides = array<i32>} : memref<512xf32, #tpu.memory_space<vmem>>, vector<16xf32>,
    tpu.vector_store %arg7[%swap3A_270], %add3A_269 {strides = array<i32>} : memref<512xf32, #tpu.memory_space<vmem>>, vector<16xf32>,
    %get3A_272 = arith.constant 16 : index
    %get3A_273 = tpu.vector_load %arg8[%get3A_272] {strides = array<i32>} : memref<512xi32, #tpu.memory_space<vmem>>, vector<16xi32>,
    %gather3A_274 = tpu.vector_load_idx %arg5[%get3A_273] : memref<1000xf32, #tpu.memory_space<vmem>>[vector<16xi32>], vector<16xf32>,
    %neg3A_275 = arith.constant 0.000000e+00 : f32
    %neg3A_276 = vector.broadcast %neg3A_275 : f32 to vector<16xf32>
    %neg3A_277 = arith.subf %neg3A_276, %gather3A_274 : vector<16xf32>
    %exp3A_278 = math.exp %neg3A_277 : vector<16xf32>
    %add3A_279 = arith.constant 1.000000e+00 : f32
    %add3A_280 = vector.broadcast %add3A_279 : f32 to vector<16xf32>
    %add3A_281 = arith.addf %add3A_280, %exp3A_278 : vector<16xf32>
    %div3A_282 = arith.constant 1.990000e-02 : f32
    %div3A_283 = vector.broadcast %div3A_282 : f32 to vector<16xf32>
    %div3A_284 = arith.divf %div3A_283, %add3A_281 : vector<16xf32>
    %add3A_285 = arith.constant 9.99999974E-5 : f32
    %add3A_286 = vector.broadcast %add3A_285 : f32 to vector<16xf32>
    %add3A_287 = arith.addf %div3A_284, %add3A_286 : vector<16xf32>
    %swap3A_288 = arith.constant 16 : index
    %swap3A_289 = tpu.vector_load %arg7[%swap3A_288] {strides = array<i32>} : memref<512xf32, #tpu.memory_space<vmem>>, vector<16xf32>,
    tpu.vector_store %arg7[%swap3A_288], %add3A_287 {strides = array<i32>} : memref<512xf32, #tpu.memory_space<vmem>>, vector<16xf32>,
    %get3A_290 = arith.constant 32 : index
    %get3A_291 = tpu.vector_load %arg8[%get3A_290] {strides = array<i32>} : memref<512xi32, #tpu.memory_space<vmem>>, vector<16xi32>,
    %gather3A_292 = tpu.vector_load_idx %arg5[%get3A_291] : memref<1000xf32, #tpu.memory_space<vmem>>[vector<16xi32>], vector<16xf32>,
    %neg3A_293 = arith.constant 0.000000e+00 : f32
    %neg3A_294 = vector.broadcast %neg3A_293 : f32 to vector<16xf32>
    %neg3A_295 = arith.subf %neg3A_294, %gather3A_292 : vector<16xf32>
    %exp3A_296 = math.exp %neg3A_295 : vector<16xf32>
    %add3A_297 = arith.constant 1.000000e+00 : f32
    %add3A_298 = vector.broadcast %add3A_297 : f32 to vector<16xf32>
    %add3A_299 = arith.addf %add3A_298, %exp3A_296 : vector<16xf32>
    %div3A_300 = arith.constant 1.990000e-02 : f32
    %div3A_301 = vector.broadcast %div3A_300 : f32 to vector<16xf32>
    %div3A_302 = arith.divf %div3A_301, %add3A_299 : vector<16xf32>
    %add3A_303 = arith.constant 9.99999974E-5 : f32
    %add3A_304 = vector.broadcast %add3A_303 : f32 to vector<16xf32>
    %add3A_305 = arith.addf %div3A_302, %add3A_304 : vector<16xf32>
    %swap3A_306 = arith.constant 32 : index
    %swap3A_307 = tpu.vector_load %arg7[%swap3A_306] {strides = array<i32>} : memref<512xf32, #tpu.memory_space<vmem>>, vector<16xf32>,
    tpu.vector_store %arg7[%swap3A_306], %add3A_305 {strides = array<i32>} : memref<512xf32, #tpu.memory_space<vmem>>, vector<16xf32>,
    %get3A_308 = arith.constant 48 : index
    %get3A_309 = tpu.vector_load %arg8[%get3A_308] {strides = array<i32>} : memref<512xi32, #tpu.memory_space<vmem>>, vector<16xi32>,
    %gather3A_310 = tpu.vector_load_idx %arg5[%get3A_309] : memref<1000xf32, #tpu.memory_space<vmem>>[vector<16xi32>], vector<16xf32>,
    %neg3A_311 = arith.constant 0.000000e+00 : f32
    %neg3A_312 = vector.broadcast %neg3A_311 : f32 to vector<16xf32>
    %neg3A_313 = arith.subf %neg3A_312, %gather3A_310 : vector<16xf32>
    %exp3A_314 = math.exp %neg3A_313 : vector<16xf32>
    %add3A_315 = arith.constant 1.000000e+00 : f32
    %add3A_316 = vector.broadcast %add3A_315 : f32 to vector<16xf32>
    %add3A_317 = arith.addf %add3A_316, %exp3A_314 : vector<16xf32>
    %div3A_318 = arith.constant 1.990000e-02 : f32
    %div3A_319 = vector.broadcast %div3A_318 : f32 to vector<16xf32>
    %div3A_320 = arith.divf %div3A_319, %add3A_317 : vector<16xf32>
    %add3A_321 = arith.constant 9.99999974E-5 : f32
    %add3A_322 = vector.broadcast %add3A_321 : f32 to vector<16xf32>
    %add3A_323 = arith.addf %div3A_320, %add3A_322 : vector<16xf32>
    %swap3A_324 = arith.constant 48 : index
    %swap3A_325 = tpu.vector_load %arg7[%swap3A_324] {strides = array<i32>} : memref<512xf32, #tpu.memory_space<vmem>>, vector<16xf32>,
    tpu.vector_store %arg7[%swap3A_324], %add3A_323 {strides = array<i32>} : memref<512xf32, #tpu.memory_space<vmem>>, vector<16xf32>,
    %get3A_326 = arith.constant 64 : index
    %get3A_327 = tpu.vector_load %arg8[%get3A_326] {strides = array<i32>} : memref<512xi32, #tpu.memory_space<vmem>>, vector<16xi32>,
    %gather3A_328 = tpu.vector_load_idx %arg5[%get3A_327] : memref<1000xf32, #tpu.memory_space<vmem>>[vector<16xi32>], vector<16xf32>,
    %neg3A_329 = arith.constant 0.000000e+00 : f32
    %neg3A_330 = vector.broadcast %neg3A_329 : f32 to vector<16xf32>
    %neg3A_331 = arith.subf %neg3A_330, %gather3A_328 : vector<16xf32>
    %exp3A_332 = math.exp %neg3A_331 : vector<16xf32>
    %add3A_333 = arith.constant 1.000000e+00 : f32
    %add3A_334 = vector.broadcast %add3A_333 : f32 to vector<16xf32>
    %add3A_335 = arith.addf %add3A_334, %exp3A_332 : vector<16xf32>
    %div3A_336 = arith.constant 1.990000e-02 : f32
    %div3A_337 = vector.broadcast %div3A_336 : f32 to vector<16xf32>
    %div3A_338 = arith.divf %div3A_337, %add3A_335 : vector<16xf32>
    %add3A_339 = arith.constant 9.99999974E-5 : f32
    %add3A_340 = vector.broadcast %add3A_339 : f32 to vector<16xf32>
    %add3A_341 = arith.addf %div3A_338, %add3A_340 : vector<16xf32>
    %swap3A_342 = arith.constant 64 : index
    %swap3A_343 = tpu.vector_load %arg7[%swap3A_342] {strides = array<i32>} : memref<512xf32, #tpu.memory_space<vmem>>, vector<16xf32>,
    tpu.vector_store %arg7[%swap3A_342], %add3A_341 {strides = array<i32>} : memref<512xf32, #tpu.memory_space<vmem>>, vector<16xf32>,
    %get3A_344 = arith.constant 80 : index
    %get3A_345 = tpu.vector_load %arg8[%get3A_344] {strides = array<i32>} : memref<512xi32, #tpu.memory_space<vmem>>, vector<16xi32>,
    %gather3A_346 = tpu.vector_load_idx %arg5[%get3A_345] : memref<1000xf32, #tpu.memory_space<vmem>>[vector<16xi32>], vector<16xf32>,
    %neg3A_347 = arith.constant 0.000000e+00 : f32
    %neg3A_348 = vector.broadcast %neg3A_347 : f32 to vector<16xf32>
    %neg3A_349 = arith.subf %neg3A_348, %gather3A_346 : vector<16xf32>
    %exp3A_350 = math.exp %neg3A_349 : vector<16xf32>
    %add3A_351 = arith.constant 1.000000e+00 : f32
    %add3A_352 = vector.broadcast %add3A_351 : f32 to vector<16xf32>
    %add3A_353 = arith.addf %add3A_352, %exp3A_350 : vector<16xf32>
    %div3A_354 = arith.constant 1.990000e-02 : f32
    %div3A_355 = vector.broadcast %div3A_354 : f32 to vector<16xf32>
    %div3A_356 = arith.divf %div3A_355, %add3A_353 : vector<16xf32>
    %add3A_357 = arith.constant 9.99999974E-5 : f32
    %add3A_358 = vector.broadcast %add3A_357 : f32 to vector<16xf32>
    %add3A_359 = arith.addf %div3A_356, %add3A_358 : vector<16xf32>
    %swap3A_360 = arith.constant 80 : index
    %swap3A_361 = tpu.vector_load %arg7[%swap3A_360] {strides = array<i32>} : memref<512xf32, #tpu.memory_space<vmem>>, vector<16xf32>,
    tpu.vector_store %arg7[%swap3A_360], %add3A_359 {strides = array<i32>} : memref<512xf32, #tpu.memory_space<vmem>>, vector<16xf32>,
    %get3A_362 = arith.constant 96 : index
    %get3A_363 = tpu.vector_load %arg8[%get3A_362] {strides = array<i32>} : memref<512xi32, #tpu.memory_space<vmem>>, vector<16xi32>,
    %gather3A_364 = tpu.vector_load_idx %arg5[%get3A_363] : memref<1000xf32, #tpu.memory_space<vmem>>[vector<16xi32>], vector<16xf32>,
    %neg3A_365 = arith.constant 0.000000e+00 : f32
    %neg3A_366 = vector.broadcast %neg3A_365 : f32 to vector<16xf32>
    %neg3A_367 = arith.subf %neg3A_366, %gather3A_364 : vector<16xf32>
    %exp3A_368 = math.exp %neg3A_367 : vector<16xf32>
    %add3A_369 = arith.constant 1.000000e+00 : f32
    %add3A_370 = vector.broadcast %add3A_369 : f32 to vector<16xf32>
    %add3A_371 = arith.addf %add3A_370, %exp3A_368 : vector<16xf32>
    %div3A_372 = arith.constant 1.990000e-02 : f32
    %div3A_373 = vector.broadcast %div3A_372 : f32 to vector<16xf32>
    %div3A_374 = arith.divf %div3A_373, %add3A_371 : vector<16xf32>
    %add3A_375 = arith.constant 9.99999974E-5 : f32
    %add3A_376 = vector.broadcast %add3A_375 : f32 to vector<16xf32>
    %add3A_377 = arith.addf %div3A_374, %add3A_376 : vector<16xf32>
    %swap3A_378 = arith.constant 96 : index
    %swap3A_379 = tpu.vector_load %arg7[%swap3A_378] {strides = array<i32>} : memref<512xf32, #tpu.memory_space<vmem>>, vector<16xf32>,
    tpu.vector_store %arg7[%swap3A_378], %add3A_377 {strides = array<i32>} : memref<512xf32, #tpu.memory_space<vmem>>, vector<16xf32>,
    %get3A_380 = arith.constant 112 : index
    %get3A_381 = tpu.vector_load %arg8[%get3A_380] {strides = array<i32>} : memref<512xi32, #tpu.memory_space<vmem>>, vector<16xi32>,
    %gather3A_382 = tpu.vector_load_idx %arg5[%get3A_381] : memref<1000xf32, #tpu.memory_space<vmem>>[vector<16xi32>], vector<16xf32>,
    %neg3A_383 = arith.constant 0.000000e+00 : f32
    %neg3A_384 = vector.broadcast %neg3A_383 : f32 to vector<16xf32>
    %neg3A_385 = arith.subf %neg3A_384, %gather3A_382 : vector<16xf32>
    %exp3A_386 = math.exp %neg3A_385 : vector<16xf32>
    %add3A_387 = arith.constant 1.000000e+00 : f32
    %add3A_388 = vector.broadcast %add3A_387 : f32 to vector<16xf32>
    %add3A_389 = arith.addf %add3A_388, %exp3A_386 : vector<16xf32>
    %div3A_390 = arith.constant 1.990000e-02 : f32
    %div3A_391 = vector.broadcast %div3A_390 : f32 to vector<16xf32>
    %div3A_392 = arith.divf %div3A_391, %add3A_389 : vector<16xf32>
    %add3A_393 = arith.constant 9.99999974E-5 : f32
    %add3A_394 = vector.broadcast %add3A_393 : f32 to vector<16xf32>
    %add3A_395 = arith.addf %div3A_392, %add3A_394 : vector<16xf32>
    %swap3A_396 = arith.constant 112 : index
    %swap3A_397 = tpu.vector_load %arg7[%swap3A_396] {strides = array<i32>} : memref<512xf32, #tpu.memory_space<vmem>>, vector<16xf32>,
    tpu.vector_store %arg7[%swap3A_396], %add3A_395 {strides = array<i32>} : memref<512xf32, #tpu.memory_space<vmem>>, vector<16xf32>,
    %get3A_398 = arith.constant 128 : index
    %get3A_399 = tpu.vector_load %arg8[%get3A_398] {strides = array<i32>} : memref<512xi32, #tpu.memory_space<vmem>>, vector<16xi32>,
    %gather3A_400 = tpu.vector_load_idx %arg5[%get3A_399] : memref<1000xf32, #tpu.memory_space<vmem>>[vector<16xi32>], vector<16xf32>,
    %neg3A_401 = arith.constant 0.000000e+00 : f32
    %neg3A_402 = vector.broadcast %neg3A_401 : f32 to vector<16xf32>
    %neg3A_403 = arith.subf %neg3A_402, %gather3A_400 : vector<16xf32>
    %exp3A_404 = math.exp %neg3A_403 : vector<16xf32>
    %add3A_405 = arith.constant 1.000000e+00 : f32
    %add3A_406 = vector.broadcast %add3A_405 : f32 to vector<16xf32>
    %add3A_407 = arith.addf %add3A_406, %exp3A_404 : vector<16xf32>
    %div3A_408 = arith.constant 1.990000e-02 : f32
    %div3A_409 = vector.broadcast %div3A_408 : f32 to vector<16xf32>
    %div3A_410 = arith.divf %div3A_409, %add3A_407 : vector<16xf32>
    %add3A_411 = arith.constant 9.99999974E-5 : f32
    %add3A_412 = vector.broadcast %add3A_411 : f32 to vector<16xf32>
    %add3A_413 = arith.addf %div3A_410, %add3A_412 : vector<16xf32>
    %swap3A_414 = arith.constant 128 : index
    %swap3A_415 = tpu.vector_load %arg7[%swap3A_414] {strides = array<i32>} : memref<512xf32, #tpu.memory_space<vmem>>, vector<16xf32>,
    tpu.vector_store %arg7[%swap3A_414], %add3A_413 {strides = array<i32>} : memref<512xf32, #tpu.memory_space<vmem>>, vector<16xf32>,
    %get3A_416 = arith.constant 144 : index
    %get3A_417 = tpu.vector_load %arg8[%get3A_416] {strides = array<i32>} : memref<512xi32, #tpu.memory_space<vmem>>, vector<16xi32>,
    %gather3A_418 = tpu.vector_load_idx %arg5[%get3A_417] : memref<1000xf32, #tpu.memory_space<vmem>>[vector<16xi32>], vector<16xf32>,
    %neg3A_419 = arith.constant 0.000000e+00 : f32
    %neg3A_420 = vector.broadcast %neg3A_419 : f32 to vector<16xf32>
    %neg3A_421 = arith.subf %neg3A_420, %gather3A_418 : vector<16xf32>
    %exp3A_422 = math.exp %neg3A_421 : vector<16xf32>
    %add3A_423 = arith.constant 1.000000e+00 : f32
    %add3A_424 = vector.broadcast %add3A_423 : f32 to vector<16xf32>
    %add3A_425 = arith.addf %add3A_424, %exp3A_422 : vector<16xf32>
    %div3A_426 = arith.constant 1.990000e-02 : f32
    %div3A_427 = vector.broadcast %div3A_426 : f32 to vector<16xf32>
    %div3A_428 = arith.divf %div3A_427, %add3A_425 : vector<16xf32>
    %add3A_429 = arith.constant 9.99999974E-5 : f32
    %add3A_430 = vector.broadcast %add3A_429 : f32 to vector<16xf32>
    %add3A_431 = arith.addf %div3A_428, %add3A_430 : vector<16xf32>
    %swap3A_432 = arith.constant 144 : index
    %swap3A_433 = tpu.vector_load %arg7[%swap3A_432] {strides = array<i32>} : memref<512xf32, #tpu.memory_space<vmem>>, vector<16xf32>,
    tpu.vector_store %arg7[%swap3A_432], %add3A_431 {strides = array<i32>} : memref<512xf32, #tpu.memory_space<vmem>>, vector<16xf32>,
    %get3A_434 = arith.constant 160 : index
    %get3A_435 = tpu.vector_load %arg8[%get3A_434] {strides = array<i32>} : memref<512xi32, #tpu.memory_space<vmem>>, vector<16xi32>,
    %gather3A_436 = tpu.vector_load_idx %arg5[%get3A_435] : memref<1000xf32, #tpu.memory_space<vmem>>[vector<16xi32>], vector<16xf32>,
    %neg3A_437 = arith.constant 0.000000e+00 : f32
    %neg3A_438 = vector.broadcast %neg3A_437 : f32 to vector<16xf32>
    %neg3A_439 = arith.subf %neg3A_438, %gather3A_436 : vector<16xf32>
    %exp3A_440 = math.exp %neg3A_439 : vector<16xf32>
    %add3A_441 = arith.constant 1.000000e+00 : f32
    %add3A_442 = vector.broadcast %add3A_441 : f32 to vector<16xf32>
    %add3A_443 = arith.addf %add3A_442, %exp3A_440 : vector<16xf32>
    %div3A_444 = arith.constant 1.990000e-02 : f32
    %div3A_445 = vector.broadcast %div3A_444 : f32 to vector<16xf32>
    %div3A_446 = arith.divf %div3A_445, %add3A_443 : vector<16xf32>
    %add3A_447 = arith.constant 9.99999974E-5 : f32
    %add3A_448 = vector.broadcast %add3A_447 : f32 to vector<16xf32>
    %add3A_449 = arith.addf %div3A_446, %add3A_448 : vector<16xf32>
    %swap3A_450 = arith.constant 160 : index
    %swap3A_451 = tpu.vector_load %arg7[%swap3A_450] {strides = array<i32>} : memref<512xf32, #tpu.memory_space<vmem>>, vector<16xf32>,
    tpu.vector_store %arg7[%swap3A_450], %add3A_449 {strides = array<i32>} : memref<512xf32, #tpu.memory_space<vmem>>, vector<16xf32>,
    %get3A_452 = arith.constant 176 : index
    %get3A_453 = tpu.vector_load %arg8[%get3A_452] {strides = array<i32>} : memref<512xi32, #tpu.memory_space<vmem>>, vector<16xi32>,
    %gather3A_454 = tpu.vector_load_idx %arg5[%get3A_453] : memref<1000xf32, #tpu.memory_space<vmem>>[vector<16xi32>], vector<16xf32>,
    %neg3A_455 = arith.constant 0.000000e+00 : f32
    %neg3A_456 = vector.broadcast %neg3A_455 : f32 to vector<16xf32>
    %neg3A_457 = arith.subf %neg3A_456, %gather3A_454 : vector<16xf32>
    %exp3A_458 = math.exp %neg3A_457 : vector<16xf32>
    %add3A_459 = arith.constant 1.000000e+00 : f32
    %add3A_460 = vector.broadcast %add3A_459 : f32 to vector<16xf32>
    %add3A_461 = arith.addf %add3A_460, %exp3A_458 : vector<16xf32>
    %div3A_462 = arith.constant 1.990000e-02 : f32
    %div3A_463 = vector.broadcast %div3A_462 : f32 to vector<16xf32>
    %div3A_464 = arith.divf %div3A_463, %add3A_461 : vector<16xf32>
    %add3A_465 = arith.constant 9.99999974E-5 : f32
    %add3A_466 = vector.broadcast %add3A_465 : f32 to vector<16xf32>
    %add3A_467 = arith.addf %div3A_464, %add3A_466 : vector<16xf32>
    %swap3A_468 = arith.constant 176 : index
    %swap3A_469 = tpu.vector_load %arg7[%swap3A_468] {strides = array<i32>} : memref<512xf32, #tpu.memory_space<vmem>>, vector<16xf32>,
    tpu.vector_store %arg7[%swap3A_468], %add3A_467 {strides = array<i32>} : memref<512xf32, #tpu.memory_space<vmem>>, vector<16xf32>,
    %get3A_470 = arith.constant 192 : index
    %get3A_471 = tpu.vector_load %arg8[%get3A_470] {strides = array<i32>} : memref<512xi32, #tpu.memory_space<vmem>>, vector<16xi32>,
    %gather3A_472 = tpu.vector_load_idx %arg5[%get3A_471] : memref<1000xf32, #tpu.memory_space<vmem>>[vector<16xi32>], vector<16xf32>,
    %neg3A_473 = arith.constant 0.000000e+00 : f32
    %neg3A_474 = vector.broadcast %neg3A_473 : f32 to vector<16xf32>
    %neg3A_475 = arith.subf %neg3A_474, %gather3A_472 : vector<16xf32>
    %exp3A_476 = math.exp %neg3A_475 : vector<16xf32>
    %add3A_477 = arith.constant 1.000000e+00 : f32
    %add3A_478 = vector.broadcast %add3A_477 : f32 to vector<16xf32>
    %add3A_479 = arith.addf %add3A_478, %exp3A_476 : vector<16xf32>
    %div3A_480 = arith.constant 1.990000e-02 : f32
    %div3A_481 = vector.broadcast %div3A_480 : f32 to vector<16xf32>
    %div3A_482 = arith.divf %div3A_481, %add3A_479 : vector<16xf32>
    %add3A_483 = arith.constant 9.99999974E-5 : f32
    %add3A_484 = vector.broadcast %add3A_483 : f32 to vector<16xf32>
    %add3A_485 = arith.addf %div3A_482, %add3A_484 : vector<16xf32>
    %swap3A_486 = arith.constant 192 : index
    %swap3A_487 = tpu.vector_load %arg7[%swap3A_486] {strides = array<i32>} : memref<512xf32, #tpu.memory_space<vmem>>, vector<16xf32>,
    tpu.vector_store %arg7[%swap3A_486], %add3A_485 {strides = array<i32>} : memref<512xf32, #tpu.memory_space<vmem>>, vector<16xf32>,
    %get3A_488 = arith.constant 208 : index
    %get3A_489 = tpu.vector_load %arg8[%get3A_488] {strides = array<i32>} : memref<512xi32, #tpu.memory_space<vmem>>, vector<16xi32>,
    %gather3A_490 = tpu.vector_load_idx %arg5[%get3A_489] : memref<1000xf32, #tpu.memory_space<vmem>>[vector<16xi32>], vector<16xf32>,
    %neg3A_491 = arith.constant 0.000000e+00 : f32
    %neg3A_492 = vector.broadcast %neg3A_491 : f32 to vector<16xf32>
    %neg3A_493 = arith.subf %neg3A_492, %gather3A_490 : vector<16xf32>
    %exp3A_494 = math.exp %neg3A_493 : vector<16xf32>
    %add3A_495 = arith.constant 1.000000e+00 : f32
    %add3A_496 = vector.broadcast %add3A_495 : f32 to vector<16xf32>
    %add3A_497 = arith.addf %add3A_496, %exp3A_494 : vector<16xf32>
    %div3A_498 = arith.constant 1.990000e-02 : f32
    %div3A_499 = vector.broadcast %div3A_498 : f32 to vector<16xf32>
    %div3A_500 = arith.divf %div3A_499, %add3A_497 : vector<16xf32>
    %add3A_501 = arith.constant 9.99999974E-5 : f32
    %add3A_502 = vector.broadcast %add3A_501 : f32 to vector<16xf32>
    %add3A_503 = arith.addf %div3A_500, %add3A_502 : vector<16xf32>
    %swap3A_504 = arith.constant 208 : index
    %swap3A_505 = tpu.vector_load %arg7[%swap3A_504] {strides = array<i32>} : memref<512xf32, #tpu.memory_space<vmem>>, vector<16xf32>,
    tpu.vector_store %arg7[%swap3A_504], %add3A_503 {strides = array<i32>} : memref<512xf32, #tpu.memory_space<vmem>>, vector<16xf32>,
    %get3A_506 = arith.constant 224 : index
    %get3A_507 = tpu.vector_load %arg8[%get3A_506] {strides = array<i32>} : memref<512xi32, #tpu.memory_space<vmem>>, vector<16xi32>,
    %gather3A_508 = tpu.vector_load_idx %arg5[%get3A_507] : memref<1000xf32, #tpu.memory_space<vmem>>[vector<16xi32>], vector<16xf32>,
    %neg3A_509 = arith.constant 0.000000e+00 : f32
    %neg3A_510 = vector.broadcast %neg3A_509 : f32 to vector<16xf32>
    %neg3A_511 = arith.subf %neg3A_510, %gather3A_508 : vector<16xf32>
    %exp3A_512 = math.exp %neg3A_511 : vector<16xf32>
    %add3A_513 = arith.constant 1.000000e+00 : f32
    %add3A_514 = vector.broadcast %add3A_513 : f32 to vector<16xf32>
    %add3A_515 = arith.addf %add3A_514, %exp3A_512 : vector<16xf32>
    %div3A_516 = arith.constant 1.990000e-02 : f32
    %div3A_517 = vector.broadcast %div3A_516 : f32 to vector<16xf32>
    %div3A_518 = arith.divf %div3A_517, %add3A_515 : vector<16xf32>
    %add3A_519 = arith.constant 9.99999974E-5 : f32
    %add3A_520 = vector.broadcast %add3A_519 : f32 to vector<16xf32>
    %add3A_521 = arith.addf %div3A_518, %add3A_520 : vector<16xf32>
    %swap3A_522 = arith.constant 224 : index
    %swap3A_523 = tpu.vector_load %arg7[%swap3A_522] {strides = array<i32>} : memref<512xf32, #tpu.memory_space<vmem>>, vector<16xf32>,
    tpu.vector_store %arg7[%swap3A_522], %add3A_521 {strides = array<i32>} : memref<512xf32, #tpu.memory_space<vmem>>, vector<16xf32>,
    %get3A_524 = arith.constant 240 : index
    %get3A_525 = tpu.vector_load %arg8[%get3A_524] {strides = array<i32>} : memref<512xi32, #tpu.memory_space<vmem>>, vector<16xi32>,
    %gather3A_526 = tpu.vector_load_idx %arg5[%get3A_525] : memref<1000xf32, #tpu.memory_space<vmem>>[vector<16xi32>], vector<16xf32>,
    %neg3A_527 = arith.constant 0.000000e+00 : f32
    %neg3A_528 = vector.broadcast %neg3A_527 : f32 to vector<16xf32>
    %neg3A_529 = arith.subf %neg3A_528, %gather3A_526 : vector<16xf32>
    %exp3A_530 = math.exp %neg3A_529 : vector<16xf32>
    %add3A_531 = arith.constant 1.000000e+00 : f32
    %add3A_532 = vector.broadcast %add3A_531 : f32 to vector<16xf32>
    %add3A_533 = arith.addf %add3A_532, %exp3A_530 : vector<16xf32>
    %div3A_534 = arith.constant 1.990000e-02 : f32
    %div3A_535 = vector.broadcast %div3A_534 : f32 to vector<16xf32>
    %div3A_536 = arith.divf %div3A_535, %add3A_533 : vector<16xf32>
    %add3A_537 = arith.constant 9.99999974E-5 : f32
    %add3A_538 = vector.broadcast %add3A_537 : f32 to vector<16xf32>
    %add3A_539 = arith.addf %div3A_536, %add3A_538 : vector<16xf32>
    %swap3A_540 = arith.constant 240 : index
    %swap3A_541 = tpu.vector_load %arg7[%swap3A_540] {strides = array<i32>} : memref<512xf32, #tpu.memory_space<vmem>>, vector<16xf32>,
    tpu.vector_store %arg7[%swap3A_540], %add3A_539 {strides = array<i32>} : memref<512xf32, #tpu.memory_space<vmem>>, vector<16xf32>,
    %add3A_542 = arith.constant 0 : i32
    %add3A_543 = arith.addi %mul3A_2, %add3A_542 : i32
    %dma_start3A_544 = arith.constant 0 : i32
    %dma_start3A_545 = tpu.memref_slice %arg7[%dma_start3A_544] : memref<512xf32, #tpu.memory_space<vmem>> -> memref<256xf32, #tpu.memory_space<vmem>>
    %dma_start3A_546 = tpu.memref_slice %arg4[%add3A_543] : memref<16384xf32, #tpu.memory_space<hbm>> -> memref<256xf32, #tpu.memory_space<hbm>>
    %dma_start3A_547 = tpu.memref_slice %arg4[%add3A_543] : memref<16384xf32, #tpu.memory_space<hbm>> -> memref<256xf32, #tpu.memory_space<hbm>>
    %dma_start3A_548 = arith.constant 0 : i32
    %dma_start3A_549 = tpu.memref_slice %arg7[%dma_start3A_548] : memref<512xf32, #tpu.memory_space<vmem>> -> memref<256xf32, #tpu.memory_space<vmem>>
    tpu.enqueue_dma source(%dma_start3A_549 : memref<256xf32, #tpu.memory_space<vmem>>) target(%dma_start3A_547 : memref<256xf32, #tpu.memory_space<hbm>>) target_semaphore(%arg11 : memref<!tpu.dma_semaphore, #tpu.memory_space<semaphore_mem>>)
    %get3A_550 = arith.constant 256 : index
    %get3A_551 = tpu.vector_load %arg8[%get3A_550] {strides = array<i32>} : memref<512xi32, #tpu.memory_space<vmem>>, vector<16xi32>,
    %gather3A_552 = tpu.vector_load_idx %arg5[%get3A_551] : memref<1000xf32, #tpu.memory_space<vmem>>[vector<16xi32>], vector<16xf32>,
    %neg3A_553 = arith.constant 0.000000e+00 : f32
    %neg3A_554 = vector.broadcast %neg3A_553 : f32 to vector<16xf32>
    %neg3A_555 = arith.subf %neg3A_554, %gather3A_552 : vector<16xf32>
    %exp3A_556 = math.exp %neg3A_555 : vector<16xf32>
    %add3A_557 = arith.constant 1.000000e+00 : f32
    %add3A_558 = vector.broadcast %add3A_557 : f32 to vector<16xf32>
    %add3A_559 = arith.addf %add3A_558, %exp3A_556 : vector<16xf32>
    %div3A_560 = arith.constant 1.990000e-02 : f32
    %div3A_561 = vector.broadcast %div3A_560 : f32 to vector<16xf32>
    %div3A_562 = arith.divf %div3A_561, %add3A_559 : vector<16xf32>
    %add3A_563 = arith.constant 9.99999974E-5 : f32
    %add3A_564 = vector.broadcast %add3A_563 : f32 to vector<16xf32>
    %add3A_565 = arith.addf %div3A_562, %add3A_564 : vector<16xf32>
    %swap3A_566 = arith.constant 256 : index
    %swap3A_567 = tpu.vector_load %arg7[%swap3A_566] {strides = array<i32>} : memref<512xf32, #tpu.memory_space<vmem>>, vector<16xf32>,
    tpu.vector_store %arg7[%swap3A_566], %add3A_565 {strides = array<i32>} : memref<512xf32, #tpu.memory_space<vmem>>, vector<16xf32>,
    %get3A_568 = arith.constant 272 : index
    %get3A_569 = tpu.vector_load %arg8[%get3A_568] {strides = array<i32>} : memref<512xi32, #tpu.memory_space<vmem>>, vector<16xi32>,
    %gather3A_570 = tpu.vector_load_idx %arg5[%get3A_569] : memref<1000xf32, #tpu.memory_space<vmem>>[vector<16xi32>], vector<16xf32>,
    %neg3A_571 = arith.constant 0.000000e+00 : f32
    %neg3A_572 = vector.broadcast %neg3A_571 : f32 to vector<16xf32>
    %neg3A_573 = arith.subf %neg3A_572, %gather3A_570 : vector<16xf32>
    %exp3A_574 = math.exp %neg3A_573 : vector<16xf32>
    %add3A_575 = arith.constant 1.000000e+00 : f32
    %add3A_576 = vector.broadcast %add3A_575 : f32 to vector<16xf32>
    %add3A_577 = arith.addf %add3A_576, %exp3A_574 : vector<16xf32>
    %div3A_578 = arith.constant 1.990000e-02 : f32
    %div3A_579 = vector.broadcast %div3A_578 : f32 to vector<16xf32>
    %div3A_580 = arith.divf %div3A_579, %add3A_577 : vector<16xf32>
    %add3A_581 = arith.constant 9.99999974E-5 : f32
    %add3A_582 = vector.broadcast %add3A_581 : f32 to vector<16xf32>
    %add3A_583 = arith.addf %div3A_580, %add3A_582 : vector<16xf32>
    %swap3A_584 = arith.constant 272 : index
    %swap3A_585 = tpu.vector_load %arg7[%swap3A_584] {strides = array<i32>} : memref<512xf32, #tpu.memory_space<vmem>>, vector<16xf32>,
    tpu.vector_store %arg7[%swap3A_584], %add3A_583 {strides = array<i32>} : memref<512xf32, #tpu.memory_space<vmem>>, vector<16xf32>,
    %get3A_586 = arith.constant 288 : index
    %get3A_587 = tpu.vector_load %arg8[%get3A_586] {strides = array<i32>} : memref<512xi32, #tpu.memory_space<vmem>>, vector<16xi32>,
    %gather3A_588 = tpu.vector_load_idx %arg5[%get3A_587] : memref<1000xf32, #tpu.memory_space<vmem>>[vector<16xi32>], vector<16xf32>,
    %neg3A_589 = arith.constant 0.000000e+00 : f32
    %neg3A_590 = vector.broadcast %neg3A_589 : f32 to vector<16xf32>
    %neg3A_591 = arith.subf %neg3A_590, %gather3A_588 : vector<16xf32>
    %exp3A_592 = math.exp %neg3A_591 : vector<16xf32>
    %add3A_593 = arith.constant 1.000000e+00 : f32
    %add3A_594 = vector.broadcast %add3A_593 : f32 to vector<16xf32>
    %add3A_595 = arith.addf %add3A_594, %exp3A_592 : vector<16xf32>
    %div3A_596 = arith.constant 1.990000e-02 : f32
    %div3A_597 = vector.broadcast %div3A_596 : f32 to vector<16xf32>
    %div3A_598 = arith.divf %div3A_597, %add3A_595 : vector<16xf32>
    %add3A_599 = arith.constant 9.99999974E-5 : f32
    %add3A_600 = vector.broadcast %add3A_599 : f32 to vector<16xf32>
    %add3A_601 = arith.addf %div3A_598, %add3A_600 : vector<16xf32>
    %swap3A_602 = arith.constant 288 : index
    %swap3A_603 = tpu.vector_load %arg7[%swap3A_602] {strides = array<i32>} : memref<512xf32, #tpu.memory_space<vmem>>, vector<16xf32>,
    tpu.vector_store %arg7[%swap3A_602], %add3A_601 {strides = array<i32>} : memref<512xf32, #tpu.memory_space<vmem>>, vector<16xf32>,
    %get3A_604 = arith.constant 304 : index
    %get3A_605 = tpu.vector_load %arg8[%get3A_604] {strides = array<i32>} : memref<512xi32, #tpu.memory_space<vmem>>, vector<16xi32>,
    %gather3A_606 = tpu.vector_load_idx %arg5[%get3A_605] : memref<1000xf32, #tpu.memory_space<vmem>>[vector<16xi32>], vector<16xf32>,
    %neg3A_607 = arith.constant 0.000000e+00 : f32
    %neg3A_608 = vector.broadcast %neg3A_607 : f32 to vector<16xf32>
    %neg3A_609 = arith.subf %neg3A_608, %gather3A_606 : vector<16xf32>
    %exp3A_610 = math.exp %neg3A_609 : vector<16xf32>
    %add3A_611 = arith.constant 1.000000e+00 : f32
    %add3A_612 = vector.broadcast %add3A_611 : f32 to vector<16xf32>
    %add3A_613 = arith.addf %add3A_612, %exp3A_610 : vector<16xf32>
    %div3A_614 = arith.constant 1.990000e-02 : f32
    %div3A_615 = vector.broadcast %div3A_614 : f32 to vector<16xf32>
    %div3A_616 = arith.divf %div3A_615, %add3A_613 : vector<16xf32>
    %add3A_617 = arith.constant 9.99999974E-5 : f32
    %add3A_618 = vector.broadcast %add3A_617 : f32 to vector<16xf32>
    %add3A_619 = arith.addf %div3A_616, %add3A_618 : vector<16xf32>
    %swap3A_620 = arith.constant 304 : index
    %swap3A_621 = tpu.vector_load %arg7[%swap3A_620] {strides = array<i32>} : memref<512xf32, #tpu.memory_space<vmem>>, vector<16xf32>,
    tpu.vector_store %arg7[%swap3A_620], %add3A_619 {strides = array<i32>} : memref<512xf32, #tpu.memory_space<vmem>>, vector<16xf32>,
    %get3A_622 = arith.constant 320 : index
    %get3A_623 = tpu.vector_load %arg8[%get3A_622] {strides = array<i32>} : memref<512xi32, #tpu.memory_space<vmem>>, vector<16xi32>,
    %gather3A_624 = tpu.vector_load_idx %arg5[%get3A_623] : memref<1000xf32, #tpu.memory_space<vmem>>[vector<16xi32>], vector<16xf32>,
    %neg3A_625 = arith.constant 0.000000e+00 : f32
    %neg3A_626 = vector.broadcast %neg3A_625 : f32 to vector<16xf32>
    %neg3A_627 = arith.subf %neg3A_626, %gather3A_624 : vector<16xf32>
    %exp3A_628 = math.exp %neg3A_627 : vector<16xf32>
    %add3A_629 = arith.constant 1.000000e+00 : f32
    %add3A_630 = vector.broadcast %add3A_629 : f32 to vector<16xf32>
    %add3A_631 = arith.addf %add3A_630, %exp3A_628 : vector<16xf32>
    %div3A_632 = arith.constant 1.990000e-02 : f32
    %div3A_633 = vector.broadcast %div3A_632 : f32 to vector<16xf32>
    %div3A_634 = arith.divf %div3A_633, %add3A_631 : vector<16xf32>
    %add3A_635 = arith.constant 9.99999974E-5 : f32
    %add3A_636 = vector.broadcast %add3A_635 : f32 to vector<16xf32>
    %add3A_637 = arith.addf %div3A_634, %add3A_636 : vector<16xf32>
    %swap3A_638 = arith.constant 320 : index
    %swap3A_639 = tpu.vector_load %arg7[%swap3A_638] {strides = array<i32>} : memref<512xf32, #tpu.memory_space<vmem>>, vector<16xf32>,
    tpu.vector_store %arg7[%swap3A_638], %add3A_637 {strides = array<i32>} : memref<512xf32, #tpu.memory_space<vmem>>, vector<16xf32>,
    %get3A_640 = arith.constant 336 : index
    %get3A_641 = tpu.vector_load %arg8[%get3A_640] {strides = array<i32>} : memref<512xi32, #tpu.memory_space<vmem>>, vector<16xi32>,
    %gather3A_642 = tpu.vector_load_idx %arg5[%get3A_641] : memref<1000xf32, #tpu.memory_space<vmem>>[vector<16xi32>], vector<16xf32>,
    %neg3A_643 = arith.constant 0.000000e+00 : f32
    %neg3A_644 = vector.broadcast %neg3A_643 : f32 to vector<16xf32>
    %neg3A_645 = arith.subf %neg3A_644, %gather3A_642 : vector<16xf32>
    %exp3A_646 = math.exp %neg3A_645 : vector<16xf32>
    %add3A_647 = arith.constant 1.000000e+00 : f32
    %add3A_648 = vector.broadcast %add3A_647 : f32 to vector<16xf32>
    %add3A_649 = arith.addf %add3A_648, %exp3A_646 : vector<16xf32>
    %div3A_650 = arith.constant 1.990000e-02 : f32
    %div3A_651 = vector.broadcast %div3A_650 : f32 to vector<16xf32>
    %div3A_652 = arith.divf %div3A_651, %add3A_649 : vector<16xf32>
    %add3A_653 = arith.constant 9.99999974E-5 : f32
    %add3A_654 = vector.broadcast %add3A_653 : f32 to vector<16xf32>
    %add3A_655 = arith.addf %div3A_652, %add3A_654 : vector<16xf32>
    %swap3A_656 = arith.constant 336 : index
    %swap3A_657 = tpu.vector_load %arg7[%swap3A_656] {strides = array<i32>} : memref<512xf32, #tpu.memory_space<vmem>>, vector<16xf32>,
    tpu.vector_store %arg7[%swap3A_656], %add3A_655 {strides = array<i32>} : memref<512xf32, #tpu.memory_space<vmem>>, vector<16xf32>,
    %get3A_658 = arith.constant 352 : index
    %get3A_659 = tpu.vector_load %arg8[%get3A_658] {strides = array<i32>} : memref<512xi32, #tpu.memory_space<vmem>>, vector<16xi32>,
    %gather3A_660 = tpu.vector_load_idx %arg5[%get3A_659] : memref<1000xf32, #tpu.memory_space<vmem>>[vector<16xi32>], vector<16xf32>,
    %neg3A_661 = arith.constant 0.000000e+00 : f32
    %neg3A_662 = vector.broadcast %neg3A_661 : f32 to vector<16xf32>
    %neg3A_663 = arith.subf %neg3A_662, %gather3A_660 : vector<16xf32>
    %exp3A_664 = math.exp %neg3A_663 : vector<16xf32>
    %add3A_665 = arith.constant 1.000000e+00 : f32
    %add3A_666 = vector.broadcast %add3A_665 : f32 to vector<16xf32>
    %add3A_667 = arith.addf %add3A_666, %exp3A_664 : vector<16xf32>
    %div3A_668 = arith.constant 1.990000e-02 : f32
    %div3A_669 = vector.broadcast %div3A_668 : f32 to vector<16xf32>
    %div3A_670 = arith.divf %div3A_669, %add3A_667 : vector<16xf32>
    %add3A_671 = arith.constant 9.99999974E-5 : f32
    %add3A_672 = vector.broadcast %add3A_671 : f32 to vector<16xf32>
    %add3A_673 = arith.addf %div3A_670, %add3A_672 : vector<16xf32>
    %swap3A_674 = arith.constant 352 : index
    %swap3A_675 = tpu.vector_load %arg7[%swap3A_674] {strides = array<i32>} : memref<512xf32, #tpu.memory_space<vmem>>, vector<16xf32>,
    tpu.vector_store %arg7[%swap3A_674], %add3A_673 {strides = array<i32>} : memref<512xf32, #tpu.memory_space<vmem>>, vector<16xf32>,
    %get3A_676 = arith.constant 368 : index
    %get3A_677 = tpu.vector_load %arg8[%get3A_676] {strides = array<i32>} : memref<512xi32, #tpu.memory_space<vmem>>, vector<16xi32>,
    %gather3A_678 = tpu.vector_load_idx %arg5[%get3A_677] : memref<1000xf32, #tpu.memory_space<vmem>>[vector<16xi32>], vector<16xf32>,
    %neg3A_679 = arith.constant 0.000000e+00 : f32
    %neg3A_680 = vector.broadcast %neg3A_679 : f32 to vector<16xf32>
    %neg3A_681 = arith.subf %neg3A_680, %gather3A_678 : vector<16xf32>
    %exp3A_682 = math.exp %neg3A_681 : vector<16xf32>
    %add3A_683 = arith.constant 1.000000e+00 : f32
    %add3A_684 = vector.broadcast %add3A_683 : f32 to vector<16xf32>
    %add3A_685 = arith.addf %add3A_684, %exp3A_682 : vector<16xf32>
    %div3A_686 = arith.constant 1.990000e-02 : f32
    %div3A_687 = vector.broadcast %div3A_686 : f32 to vector<16xf32>
    %div3A_688 = arith.divf %div3A_687, %add3A_685 : vector<16xf32>
    %add3A_689 = arith.constant 9.99999974E-5 : f32
    %add3A_690 = vector.broadcast %add3A_689 : f32 to vector<16xf32>
    %add3A_691 = arith.addf %div3A_688, %add3A_690 : vector<16xf32>
    %swap3A_692 = arith.constant 368 : index
    %swap3A_693 = tpu.vector_load %arg7[%swap3A_692] {strides = array<i32>} : memref<512xf32, #tpu.memory_space<vmem>>, vector<16xf32>,
    tpu.vector_store %arg7[%swap3A_692], %add3A_691 {strides = array<i32>} : memref<512xf32, #tpu.memory_space<vmem>>, vector<16xf32>,
    %get3A_694 = arith.constant 384 : index
    %get3A_695 = tpu.vector_load %arg8[%get3A_694] {strides = array<i32>} : memref<512xi32, #tpu.memory_space<vmem>>, vector<16xi32>,
    %gather3A_696 = tpu.vector_load_idx %arg5[%get3A_695] : memref<1000xf32, #tpu.memory_space<vmem>>[vector<16xi32>], vector<16xf32>,
    %neg3A_697 = arith.constant 0.000000e+00 : f32
    %neg3A_698 = vector.broadcast %neg3A_697 : f32 to vector<16xf32>
    %neg3A_699 = arith.subf %neg3A_698, %gather3A_696 : vector<16xf32>
    %exp3A_700 = math.exp %neg3A_699 : vector<16xf32>
    %add3A_701 = arith.constant 1.000000e+00 : f32
    %add3A_702 = vector.broadcast %add3A_701 : f32 to vector<16xf32>
    %add3A_703 = arith.addf %add3A_702, %exp3A_700 : vector<16xf32>
    %div3A_704 = arith.constant 1.990000e-02 : f32
    %div3A_705 = vector.broadcast %div3A_704 : f32 to vector<16xf32>
    %div3A_706 = arith.divf %div3A_705, %add3A_703 : vector<16xf32>
    %add3A_707 = arith.constant 9.99999974E-5 : f32
    %add3A_708 = vector.broadcast %add3A_707 : f32 to vector<16xf32>
    %add3A_709 = arith.addf %div3A_706, %add3A_708 : vector<16xf32>
    %swap3A_710 = arith.constant 384 : index
    %swap3A_711 = tpu.vector_load %arg7[%swap3A_710] {strides = array<i32>} : memref<512xf32, #tpu.memory_space<vmem>>, vector<16xf32>,
    tpu.vector_store %arg7[%swap3A_710], %add3A_709 {strides = array<i32>} : memref<512xf32, #tpu.memory_space<vmem>>, vector<16xf32>,
    %get3A_712 = arith.constant 400 : index
    %get3A_713 = tpu.vector_load %arg8[%get3A_712] {strides = array<i32>} : memref<512xi32, #tpu.memory_space<vmem>>, vector<16xi32>,
    %gather3A_714 = tpu.vector_load_idx %arg5[%get3A_713] : memref<1000xf32, #tpu.memory_space<vmem>>[vector<16xi32>], vector<16xf32>,
    %neg3A_715 = arith.constant 0.000000e+00 : f32
    %neg3A_716 = vector.broadcast %neg3A_715 : f32 to vector<16xf32>
    %neg3A_717 = arith.subf %neg3A_716, %gather3A_714 : vector<16xf32>
    %exp3A_718 = math.exp %neg3A_717 : vector<16xf32>
    %add3A_719 = arith.constant 1.000000e+00 : f32
    %add3A_720 = vector.broadcast %add3A_719 : f32 to vector<16xf32>
    %add3A_721 = arith.addf %add3A_720, %exp3A_718 : vector<16xf32>
    %div3A_722 = arith.constant 1.990000e-02 : f32
    %div3A_723 = vector.broadcast %div3A_722 : f32 to vector<16xf32>
    %div3A_724 = arith.divf %div3A_723, %add3A_721 : vector<16xf32>
    %add3A_725 = arith.constant 9.99999974E-5 : f32
    %add3A_726 = vector.broadcast %add3A_725 : f32 to vector<16xf32>
    %add3A_727 = arith.addf %div3A_724, %add3A_726 : vector<16xf32>
    %swap3A_728 = arith.constant 400 : index
    %swap3A_729 = tpu.vector_load %arg7[%swap3A_728] {strides = array<i32>} : memref<512xf32, #tpu.memory_space<vmem>>, vector<16xf32>,
    tpu.vector_store %arg7[%swap3A_728], %add3A_727 {strides = array<i32>} : memref<512xf32, #tpu.memory_space<vmem>>, vector<16xf32>,
    %get3A_730 = arith.constant 416 : index
    %get3A_731 = tpu.vector_load %arg8[%get3A_730] {strides = array<i32>} : memref<512xi32, #tpu.memory_space<vmem>>, vector<16xi32>,
    %gather3A_732 = tpu.vector_load_idx %arg5[%get3A_731] : memref<1000xf32, #tpu.memory_space<vmem>>[vector<16xi32>], vector<16xf32>,
    %neg3A_733 = arith.constant 0.000000e+00 : f32
    %neg3A_734 = vector.broadcast %neg3A_733 : f32 to vector<16xf32>
    %neg3A_735 = arith.subf %neg3A_734, %gather3A_732 : vector<16xf32>
    %exp3A_736 = math.exp %neg3A_735 : vector<16xf32>
    %add3A_737 = arith.constant 1.000000e+00 : f32
    %add3A_738 = vector.broadcast %add3A_737 : f32 to vector<16xf32>
    %add3A_739 = arith.addf %add3A_738, %exp3A_736 : vector<16xf32>
    %div3A_740 = arith.constant 1.990000e-02 : f32
    %div3A_741 = vector.broadcast %div3A_740 : f32 to vector<16xf32>
    %div3A_742 = arith.divf %div3A_741, %add3A_739 : vector<16xf32>
    %add3A_743 = arith.constant 9.99999974E-5 : f32
    %add3A_744 = vector.broadcast %add3A_743 : f32 to vector<16xf32>
    %add3A_745 = arith.addf %div3A_742, %add3A_744 : vector<16xf32>
    %swap3A_746 = arith.constant 416 : index
    %swap3A_747 = tpu.vector_load %arg7[%swap3A_746] {strides = array<i32>} : memref<512xf32, #tpu.memory_space<vmem>>, vector<16xf32>,
    tpu.vector_store %arg7[%swap3A_746], %add3A_745 {strides = array<i32>} : memref<512xf32, #tpu.memory_space<vmem>>, vector<16xf32>,
    %get3A_748 = arith.constant 432 : index
    %get3A_749 = tpu.vector_load %arg8[%get3A_748] {strides = array<i32>} : memref<512xi32, #tpu.memory_space<vmem>>, vector<16xi32>,
    %gather3A_750 = tpu.vector_load_idx %arg5[%get3A_749] : memref<1000xf32, #tpu.memory_space<vmem>>[vector<16xi32>], vector<16xf32>,
    %neg3A_751 = arith.constant 0.000000e+00 : f32
    %neg3A_752 = vector.broadcast %neg3A_751 : f32 to vector<16xf32>
    %neg3A_753 = arith.subf %neg3A_752, %gather3A_750 : vector<16xf32>
    %exp3A_754 = math.exp %neg3A_753 : vector<16xf32>
    %add3A_755 = arith.constant 1.000000e+00 : f32
    %add3A_756 = vector.broadcast %add3A_755 : f32 to vector<16xf32>
    %add3A_757 = arith.addf %add3A_756, %exp3A_754 : vector<16xf32>
    %div3A_758 = arith.constant 1.990000e-02 : f32
    %div3A_759 = vector.broadcast %div3A_758 : f32 to vector<16xf32>
    %div3A_760 = arith.divf %div3A_759, %add3A_757 : vector<16xf32>
    %add3A_761 = arith.constant 9.99999974E-5 : f32
    %add3A_762 = vector.broadcast %add3A_761 : f32 to vector<16xf32>
    %add3A_763 = arith.addf %div3A_760, %add3A_762 : vector<16xf32>
    %swap3A_764 = arith.constant 432 : index
    %swap3A_765 = tpu.vector_load %arg7[%swap3A_764] {strides = array<i32>} : memref<512xf32, #tpu.memory_space<vmem>>, vector<16xf32>,
    tpu.vector_store %arg7[%swap3A_764], %add3A_763 {strides = array<i32>} : memref<512xf32, #tpu.memory_space<vmem>>, vector<16xf32>,
    %get3A_766 = arith.constant 448 : index
    %get3A_767 = tpu.vector_load %arg8[%get3A_766] {strides = array<i32>} : memref<512xi32, #tpu.memory_space<vmem>>, vector<16xi32>,
    %gather3A_768 = tpu.vector_load_idx %arg5[%get3A_767] : memref<1000xf32, #tpu.memory_space<vmem>>[vector<16xi32>], vector<16xf32>,
    %neg3A_769 = arith.constant 0.000000e+00 : f32
    %neg3A_770 = vector.broadcast %neg3A_769 : f32 to vector<16xf32>
    %neg3A_771 = arith.subf %neg3A_770, %gather3A_768 : vector<16xf32>
    %exp3A_772 = math.exp %neg3A_771 : vector<16xf32>
    %add3A_773 = arith.constant 1.000000e+00 : f32
    %add3A_774 = vector.broadcast %add3A_773 : f32 to vector<16xf32>
    %add3A_775 = arith.addf %add3A_774, %exp3A_772 : vector<16xf32>
    %div3A_776 = arith.constant 1.990000e-02 : f32
    %div3A_777 = vector.broadcast %div3A_776 : f32 to vector<16xf32>
    %div3A_778 = arith.divf %div3A_777, %add3A_775 : vector<16xf32>
    %add3A_779 = arith.constant 9.99999974E-5 : f32
    %add3A_780 = vector.broadcast %add3A_779 : f32 to vector<16xf32>
    %add3A_781 = arith.addf %div3A_778, %add3A_780 : vector<16xf32>
    %swap3A_782 = arith.constant 448 : index
    %swap3A_783 = tpu.vector_load %arg7[%swap3A_782] {strides = array<i32>} : memref<512xf32, #tpu.memory_space<vmem>>, vector<16xf32>,
    tpu.vector_store %arg7[%swap3A_782], %add3A_781 {strides = array<i32>} : memref<512xf32, #tpu.memory_space<vmem>>, vector<16xf32>,
    %get3A_784 = arith.constant 464 : index
    %get3A_785 = tpu.vector_load %arg8[%get3A_784] {strides = array<i32>} : memref<512xi32, #tpu.memory_space<vmem>>, vector<16xi32>,
    %gather3A_786 = tpu.vector_load_idx %arg5[%get3A_785] : memref<1000xf32, #tpu.memory_space<vmem>>[vector<16xi32>], vector<16xf32>,
    %neg3A_787 = arith.constant 0.000000e+00 : f32
    %neg3A_788 = vector.broadcast %neg3A_787 : f32 to vector<16xf32>
    %neg3A_789 = arith.subf %neg3A_788, %gather3A_786 : vector<16xf32>
    %exp3A_790 = math.exp %neg3A_789 : vector<16xf32>
    %add3A_791 = arith.constant 1.000000e+00 : f32
    %add3A_792 = vector.broadcast %add3A_791 : f32 to vector<16xf32>
    %add3A_793 = arith.addf %add3A_792, %exp3A_790 : vector<16xf32>
    %div3A_794 = arith.constant 1.990000e-02 : f32
    %div3A_795 = vector.broadcast %div3A_794 : f32 to vector<16xf32>
    %div3A_796 = arith.divf %div3A_795, %add3A_793 : vector<16xf32>
    %add3A_797 = arith.constant 9.99999974E-5 : f32
    %add3A_798 = vector.broadcast %add3A_797 : f32 to vector<16xf32>
    %add3A_799 = arith.addf %div3A_796, %add3A_798 : vector<16xf32>
    %swap3A_800 = arith.constant 464 : index
    %swap3A_801 = tpu.vector_load %arg7[%swap3A_800] {strides = array<i32>} : memref<512xf32, #tpu.memory_space<vmem>>, vector<16xf32>,
    tpu.vector_store %arg7[%swap3A_800], %add3A_799 {strides = array<i32>} : memref<512xf32, #tpu.memory_space<vmem>>, vector<16xf32>,
    %get3A_802 = arith.constant 480 : index
    %get3A_803 = tpu.vector_load %arg8[%get3A_802] {strides = array<i32>} : memref<512xi32, #tpu.memory_space<vmem>>, vector<16xi32>,
    %gather3A_804 = tpu.vector_load_idx %arg5[%get3A_803] : memref<1000xf32, #tpu.memory_space<vmem>>[vector<16xi32>], vector<16xf32>,
    %neg3A_805 = arith.constant 0.000000e+00 : f32
    %neg3A_806 = vector.broadcast %neg3A_805 : f32 to vector<16xf32>
    %neg3A_807 = arith.subf %neg3A_806, %gather3A_804 : vector<16xf32>
    %exp3A_808 = math.exp %neg3A_807 : vector<16xf32>
    %add3A_809 = arith.constant 1.000000e+00 : f32
    %add3A_810 = vector.broadcast %add3A_809 : f32 to vector<16xf32>
    %add3A_811 = arith.addf %add3A_810, %exp3A_808 : vector<16xf32>
    %div3A_812 = arith.constant 1.990000e-02 : f32
    %div3A_813 = vector.broadcast %div3A_812 : f32 to vector<16xf32>
    %div3A_814 = arith.divf %div3A_813, %add3A_811 : vector<16xf32>
    %add3A_815 = arith.constant 9.99999974E-5 : f32
    %add3A_816 = vector.broadcast %add3A_815 : f32 to vector<16xf32>
    %add3A_817 = arith.addf %div3A_814, %add3A_816 : vector<16xf32>
    %swap3A_818 = arith.constant 480 : index
    %swap3A_819 = tpu.vector_load %arg7[%swap3A_818] {strides = array<i32>} : memref<512xf32, #tpu.memory_space<vmem>>, vector<16xf32>,
    tpu.vector_store %arg7[%swap3A_818], %add3A_817 {strides = array<i32>} : memref<512xf32, #tpu.memory_space<vmem>>, vector<16xf32>,
    %get3A_820 = arith.constant 496 : index
    %get3A_821 = tpu.vector_load %arg8[%get3A_820] {strides = array<i32>} : memref<512xi32, #tpu.memory_space<vmem>>, vector<16xi32>,
    %gather3A_822 = tpu.vector_load_idx %arg5[%get3A_821] : memref<1000xf32, #tpu.memory_space<vmem>>[vector<16xi32>], vector<16xf32>,
    %neg3A_823 = arith.constant 0.000000e+00 : f32
    %neg3A_824 = vector.broadcast %neg3A_823 : f32 to vector<16xf32>
    %neg3A_825 = arith.subf %neg3A_824, %gather3A_822 : vector<16xf32>
    %exp3A_826 = math.exp %neg3A_825 : vector<16xf32>
    %add3A_827 = arith.constant 1.000000e+00 : f32
    %add3A_828 = vector.broadcast %add3A_827 : f32 to vector<16xf32>
    %add3A_829 = arith.addf %add3A_828, %exp3A_826 : vector<16xf32>
    %div3A_830 = arith.constant 1.990000e-02 : f32
    %div3A_831 = vector.broadcast %div3A_830 : f32 to vector<16xf32>
    %div3A_832 = arith.divf %div3A_831, %add3A_829 : vector<16xf32>
    %add3A_833 = arith.constant 9.99999974E-5 : f32
    %add3A_834 = vector.broadcast %add3A_833 : f32 to vector<16xf32>
    %add3A_835 = arith.addf %div3A_832, %add3A_834 : vector<16xf32>
    %swap3A_836 = arith.constant 496 : index
    %swap3A_837 = tpu.vector_load %arg7[%swap3A_836] {strides = array<i32>} : memref<512xf32, #tpu.memory_space<vmem>>, vector<16xf32>,
    tpu.vector_store %arg7[%swap3A_836], %add3A_835 {strides = array<i32>} : memref<512xf32, #tpu.memory_space<vmem>>, vector<16xf32>,
    %add3A_838 = arith.constant 256 : i32
    %add3A_839 = arith.addi %mul3A_2, %add3A_838 : i32
    %dma_start3A_840 = arith.constant 256 : i32
    %dma_start3A_841 = tpu.memref_slice %arg7[%dma_start3A_840] : memref<512xf32, #tpu.memory_space<vmem>> -> memref<256xf32, #tpu.memory_space<vmem>>
    %dma_start3A_842 = tpu.memref_slice %arg4[%add3A_839] : memref<16384xf32, #tpu.memory_space<hbm>> -> memref<256xf32, #tpu.memory_space<hbm>>
    %dma_start3A_843 = tpu.memref_slice %arg4[%add3A_839] : memref<16384xf32, #tpu.memory_space<hbm>> -> memref<256xf32, #tpu.memory_space<hbm>>
    %dma_start3A_844 = arith.constant 256 : i32
    %dma_start3A_845 = tpu.memref_slice %arg7[%dma_start3A_844] : memref<512xf32, #tpu.memory_space<vmem>> -> memref<256xf32, #tpu.memory_space<vmem>>
    tpu.enqueue_dma source(%dma_start3A_845 : memref<256xf32, #tpu.memory_space<vmem>>) target(%dma_start3A_843 : memref<256xf32, #tpu.memory_space<hbm>>) target_semaphore(%arg11 : memref<!tpu.dma_semaphore, #tpu.memory_space<semaphore_mem>>)
    %dma_wait3A_846 = arith.constant 0 : i32
    %dma_wait3A_847 = tpu.memref_slice %arg7[%dma_wait3A_846] : memref<512xf32, #tpu.memory_space<vmem>> -> memref<256xf32, #tpu.memory_space<vmem>>
    %dma_wait3A_848 = tpu.memref_slice %arg4[%add3A_543] : memref<16384xf32, #tpu.memory_space<hbm>> -> memref<256xf32, #tpu.memory_space<hbm>>
    %dma_wait3A_849 = tpu.memref_slice %arg4[%add3A_543] : memref<16384xf32, #tpu.memory_space<hbm>> -> memref<256xf32, #tpu.memory_space<hbm>>
    %dma_wait3A_850 = arith.constant 0 : i32
    %dma_wait3A_851 = tpu.memref_slice %arg7[%dma_wait3A_850] : memref<512xf32, #tpu.memory_space<vmem>> -> memref<256xf32, #tpu.memory_space<vmem>>
    tpu.wait_dma2 semaphore(%arg11 : memref<!tpu.dma_semaphore, #tpu.memory_space<semaphore_mem>>) src(%dma_wait3A_851 : memref<256xf32, #tpu.memory_space<vmem>>) dst(%dma_wait3A_849 : memref<256xf32, #tpu.memory_space<hbm>>)
    %dma_wait3A_852 = arith.constant 256 : i32
    %dma_wait3A_853 = tpu.memref_slice %arg7[%dma_wait3A_852] : memref<512xf32, #tpu.memory_space<vmem>> -> memref<256xf32, #tpu.memory_space<vmem>>
    %dma_wait3A_854 = tpu.memref_slice %arg4[%add3A_839] : memref<16384xf32, #tpu.memory_space<hbm>> -> memref<256xf32, #tpu.memory_space<hbm>>
    %dma_wait3A_855 = tpu.memref_slice %arg4[%add3A_839] : memref<16384xf32, #tpu.memory_space<hbm>> -> memref<256xf32, #tpu.memory_space<hbm>>
    %dma_wait3A_856 = arith.constant 256 : i32
    %dma_wait3A_857 = tpu.memref_slice %arg7[%dma_wait3A_856] : memref<512xf32, #tpu.memory_space<vmem>> -> memref<256xf32, #tpu.memory_space<vmem>>
    tpu.wait_dma2 semaphore(%arg11 : memref<!tpu.dma_semaphore, #tpu.memory_space<semaphore_mem>>) src(%dma_wait3A_857 : memref<256xf32, #tpu.memory_space<vmem>>) dst(%dma_wait3A_855 : memref<256xf32, #tpu.memory_space<hbm>>)
    return
  }
}

</mosaic_0001>

<sc_bundles>
// kernel: kernel.3.cloned.1.call-start
scs
__scs_entry_jumppad:
0x0: {  	(pc) =	sbr.rel $0x88, $3  }
0x1: {  	(tag) =	ssettag $0x0;
	lr =	simm.s32 $0x1  }
0x2: {  	[smem:$0x3F9F] =	sst lr;
	_ =	strace $0xD0000000  }
0x3: {  	_ = 	snop  }
0x4: {  	_ = 	snop  }
0x5: {  	_ = 	snop  }
0x6: {  	_ = 	snop  }
0x7: {  	_ = 	snop  }
__scs_overlays_trampoline_lowered:
0x8: {  	[smem:$0x3FAE] =	sst s0  }
0x9: {  	[smem:$0x3FAF] =	sst s1  }
0xa: {  	[smem:$0x3FB0] =	sst s2  }
0xb: {  	[smem:$0x3FB1] =	sst s3  }
0xc: {  	[smem:$0x3FB2] =	sst s4  }
0xd: {  	[smem:$0x3FB3] =	sst s5  }
0xe: {  	[smem:$0x3FB4] =	sst s6  }
0xf: {  	[smem:$0x3FB5] =	sst s7  }
0x10: {  	[smem:$0x3FB6] =	sst s8  }
0x11: {  	[smem:$0x3FB7] =	sst s9;
	s0 =	simm.s32 @!p0 $0x0  }
0x12: {  	s1 =	sld [smem:$0x3F9D];
	s0 =	simm.s32 @p0 $0x1  }
0x13: {  	[smem:$0x3FB8] =	sst s0;
	s0 =	simm.s32 @!p1 $0x0  }
0x14: {  	s2 =	sld [smem:$0x3F9C];
	s0 =	simm.s32 @p1 $0x1  }
0x15: {  	[smem:$0x3FB9] =	sst s0;
	s0 =	simm.s32 @!p2 $0x0  }
0x16: {  	s3 =	sld [smem:$0x3FDB];
	s0 =	simm.s32 @p2 $0x1  }
0x17: {  	s4 =	simm.s32 $0x1BF5;
	[smem:$0x3FBB] =	sst s0  }
0x18: {  	s0 =	sld [smem:$0x3F9E];
	_ =	swait.ge [sflag:s4], $0x0  }
0x19: {  	s7 =	sld [smem:$0x3F9F]  }
0x1a: {  	s8 =	sadd.s32 $0xFFFFE003, lr  }
0x1b: {  	s9 =	sadd.s32 $0xFFFFFEF7, lr;
	s5 =	simm.s32 $0xFFFFFFFF;
	p2 =	slt.u32 s8, $0xFFFFF086  }
0x1c: {  	p1 =	slt.u32 s9, $0xF7A;
	s5 =	simm.s32 @!p2 $0x0  }
0x1d: {  	s5 =	simm.s32 @p1 $0x1;
	p0 =	seq.s32 s7, s2  }
0x1e: {  	s7 =	smul.u32 @!p0 $0xF7A, s2;
	p2 =	seq.s32 @!p0 s5, $0x0  }
0x1f: {  	s9 =	smul.u32 $0xF7A, s1;
	s8 =	simm.s32 @!p0 $0x1BF5;
	p2 =	por !p2, p0  }
0x20: {  	[sflag:s8] =	ssyncset.s32 @!p0 $0xFFFFF086;
	s6 =	sadd.s32 @!p0 s3, s7;
	s7 =	simm.s32 @!p0 $0x108  }
0x21: {  	s3 =	sadd.s32 s3, s9;
	s6 =	sadd.s32 @!p0 $0x88, s6;
	s7 =	simm.s32 @p2 $0x1082  }
0x22: {  	[simem:s7], [sflag:s8] =	dma.local @!p0 [hbm:s6], $0xF7A  }
0x23: {  	s9 =	sor.u32 $0xD0000000, s2;
	s6 =	simm.s32 $0x108;
	_ =	swait.ge @!p0 [sflag:s8], $0x0  }
0x24: {  	s3 =	sadd.s32 $0x88, s3;
	s6 =	simm.s32 @!p1 $0x1082;
	[sflag:s4] =	ssyncset.s32 $0xFFFFF086  }
0x25: {  	[simem:s6], [sflag:s4] =	dma.local [hbm:s3], $0xF7A  }
0x26: {  	[smem:$0x3F9F] =	sst s1;
	(tag) =	ssettag s2;
	_ =	strace s9  }
0x27: {  	s1 =	sld [smem:$0x3FAF]  }
0x28: {  	s2 =	sld [smem:$0x3FB0]  }
0x29: {  	s4 =	sld [smem:$0x3FB2]  }
0x2a: {  	p0 =	seq.s32 s5, $0x0;
	s5 =	sld [smem:$0x3FB3]  }
0x2b: {  	s6 =	sld [smem:$0x3FB4]  }
0x2c: {  	s7 =	sld [smem:$0x3FB5]  }
0x2d: {  	s3 =	simm.s32 $0x108;
	s8 =	sld [smem:$0x3FB6]  }
0x2e: {  	s3 =	simm.s32 @!p0 $0x1082;
	s9 =	sld [smem:$0x3FB7]  }
0x2f: {  	lr =	sadd.s32 s0, s3;
	s0 =	sld [smem:$0x3FAE]  }
0x30: {  	s3 =	sld [smem:$0x3FB1]  }
0x31: {  	[smem:$0x3FBA] =	sst s10  }
0x32: {  	s10 =	sld [smem:$0x3FB8];
	_ =	sdelay $0x3  }
0x33: {  	p0 =	seq.s32 s10, $0x1;
	s10 =	sld [smem:$0x3FBA];
	_ =	sdelay $0x3  }
0x34: {  	[smem:$0x3FBA] =	sst s10  }
0x35: {  	s10 =	sld [smem:$0x3FB9];
	_ =	sdelay $0x3  }
0x36: {  	p1 =	seq.s32 s10, $0x1;
	s10 =	sld [smem:$0x3FBA];
	_ =	sdelay $0x3  }
0x37: {  	[smem:$0x3FBA] =	sst s10  }
0x38: {  	s10 =	sld [smem:$0x3FBB]  }
0x39: {  	_ = 	snop;
	(pc) =	sbr.ind lr, $3  }
0x3a: {  	_ = 	snop  }
0x3b: {  	_ = 	snop  }
0x3c: {  	p2 =	seq.s32 s10, $0x1;
	s10 =	sld [smem:$0x3FBA]  }
0x3d: {  	_ =	shalt  }
0x3e: {  	_ =	shalt  }
0x3f: {  	_ =	shalt  }
0x40: {  	_ =	shalt  }
0x41: {  	_ =	shalt  }
0x42: {  	_ =	shalt  }
0x43: {  	_ =	shalt  }
0x44: {  	_ =	shalt  }
0x45: {  	_ =	shalt  }
0x46: {  	_ =	shalt  }
0x47: {  	_ =	shalt  }
0x48: {  	_ =	shalt  }
0x49: {  	_ =	shalt  }
0x4a: {  	_ =	shalt  }
0x4b: {  	_ =	shalt  }
0x4c: {  	_ =	shalt  }
0x4d: {  	_ =	shalt  }
0x4e: {  	_ =	shalt  }
0x4f: {  	_ =	shalt  }
0x50: {  	_ =	shalt  }
0x51: {  	_ =	shalt  }
0x52: {  	_ =	shalt  }
0x53: {  	_ =	shalt  }
0x54: {  	_ =	shalt  }
0x55: {  	_ =	shalt  }
0x56: {  	_ =	shalt  }
0x57: {  	_ =	shalt  }
0x58: {  	_ =	shalt  }
0x59: {  	_ =	shalt  }
0x5a: {  	_ =	shalt  }
0x5b: {  	_ =	shalt  }
0x5c: {  	_ =	shalt  }
0x5d: {  	_ =	shalt  }
0x5e: {  	_ =	shalt  }
0x5f: {  	_ =	shalt  }
0x60: {  	_ =	shalt  }
0x61: {  	_ =	shalt  }
0x62: {  	_ =	shalt  }
0x63: {  	_ =	shalt  }
0x64: {  	_ =	shalt  }
0x65: {  	_ =	shalt  }
0x66: {  	_ =	shalt  }
0x67: {  	_ =	shalt  }
0x68: {  	_ =	shalt  }
0x69: {  	_ =	shalt  }
0x6a: {  	_ =	shalt  }
0x6b: {  	_ =	shalt  }
0x6c: {  	_ =	shalt  }
0x6d: {  	_ =	shalt  }
0x6e: {  	_ =	shalt  }
0x6f: {  	_ =	shalt  }
0x70: {  	_ =	shalt  }
0x71: {  	_ =	shalt  }
0x72: {  	_ =	shalt  }
0x73: {  	_ =	shalt  }
0x74: {  	_ =	shalt  }
0x75: {  	_ =	shalt  }
0x76: {  	_ =	shalt  }
0x77: {  	_ =	shalt  }
0x78: {  	_ =	shalt  }
0x79: {  	_ =	shalt  }
0x7a: {  	_ =	shalt  }
0x7b: {  	_ =	shalt  }
0x7c: {  	_ =	shalt  }
0x7d: {  	_ =	shalt  }
0x7e: {  	_ =	shalt  }
0x7f: {  	_ =	shalt  }
0x80: {  	_ =	shalt  }
0x81: {  	_ =	shalt  }
0x82: {  	_ =	shalt  }
0x83: {  	_ =	shalt  }
0x84: {  	_ =	shalt  }
0x85: {  	_ =	shalt  }
0x86: {  	_ =	shalt  }
0x87: {  	_ =	shalt  }
.Lfunc_end0:
.L_simem_size_0:
called_computation_lowered:
.L_overlay_start_0:
0x88: {  	s2 =	sld [smem:$0x3FD9]  }
0x89: {  	s3 =	sld [smem:$0x3FFE];
	_ =	sdelay $0x1  }
0x8a: {  	s1 =	srdreg.scid  }
0x8b: {  	s0 =	sand.u32 $0x1, s1  }
0x8c: {  	s18 =	sshll.u32 s0, $0xA;
	s2 =	sadd.s32 s3, s2  }
0x8d: {  	s2 =	sadd.s32 s2, s18  }
0x8e: {  	[smem:$0x3FC6] =	sst s2  }
0x8f: {  	_ = 	snop  }
0x90: {  	s2 =	sld [smem:$0x3FC9]  }
0x91: {  	s19 =	sld [smem:$0x3FC8]  }
0x92: {  	s4 =	sld [smem:$0x3FD0];
	(tm) =	ssettm $0x1  }
0x93: {  	s5 =	sld [smem:$0x3FFB];
	_ =	sdelay $0x3  }
0x94: {  	_ =	strace s5  }
0x95: {  	s5 =	sld [smem:$0x3FFC];
	_ =	sdelay $0x3  }
0x96: {  	_ =	strace s5  }
0x97: {  	s5 =	sld [smem:$0x3FFD];
	_ =	sdelay $0x3  }
0x98: {  	_ =	strace s5  }
0x99: {  	_ =	strace $0x8FFFFFFF  }
0x9a: {  	s20 =	sld [smem:$0x3FDB];
	_ =	sdelay $0x1  }
0x9b: {  	s6 =	simm.s32 $_scs_section_size  }
0x9c: {  	s7 =	simm.s32 $_size__tile_overlayer_lowered;
	s8 =	simm.s32 $_tile_overlayer_lowered  }
0x9d: {  	s23 =	simm.s32 $0x1BFF;
	s22 =	sshll.u32 s8, $0x1;
	s5 =	sadd.s32 s6, s20  }
0x9e: {  	s9 =	simm.s32 $0x0;
	s21 =	sshll.u32 s7, $0x1;
	s7 =	sadd.s32 s22, s5  }
0x9f: {  	[timem:s9], [sflag:s23] =	dma.local [hbm:s7], s21  }
0xa0: {  	_ =	swait.ge [sflag:s23], s21  }
0xa1: {  	s6 =	ssub.s32 $0x0, s21;
	[sflag:s23] =	ssyncset.done $0x0  }
0xa2: {  	[sflag:s23] =	ssyncadd.s32 s6;
	_ =	sdelay $0x1  }
0xa3: {  	s24 =	simm.s32 $0x1B8B  }
0xa4: {  	_ =	swait.ge [sflag:s24], $0x1  }
0xa5: {  	[sflag:s24] =	ssyncset.done $0x0  }
0xa6: {  	s25 =	simm.s32 $0x1B8E;
	[sflag:s24] =	ssyncadd.s32 $0xFFFFFFFF  }
0xa7: {  	s26 =	simm.s32 $execute0_lowered;
	[smem:$0x3FD2] =	sst s25  }
0xa8: {  	s6 =	sshll.u32 s26, $0x1;
	_ =	strace $0x80000046;
	[dreg:$0x1] =	wrdreg $0xFFFFFFFF  }
0xa9: {  	s28 =	simm.s32 $_size_execute0_lowered;
	s5 =	sadd.s32 s5, s6;
	[dreg:$0x0] =	wrdreg $0x0  }
0xaa: {  	s6 =	sshll.u32 s28, $0x1;
	[dreg:$0x2] =	wrdreg s5  }
0xab: {  	[dreg:$0x3] =	wrdreg s6  }
0xac: {  	[dreg:$0x4] =	wrdreg $0xC0  }
0xad: {  	_ =	task [dreg:s9], $0x5FFFF  }
0xae: {  	[dreg:$0x1] =	wrdreg $0xFFFFFFFF  }
0xaf: {  	[dreg:$0x0] =	wrdreg $0x60  }
0xb0: {  	[dreg:$0x2] =	wrdreg s2  }
0xb1: {  	[dreg:$0x3] =	wrdreg s19  }
0xb2: {  	[dreg:$0x4] =	wrdreg s4  }
0xb3: {  	[dreg:$0x5] =	wrdreg $0x9  }
0xb4: {  	_ =	task.clear_ibuf [dreg:s9], $0x6FFFF;
	_ =	strace $0x90000046  }
0xb5: {  	s29 =	simm.s32 $0x9;
	_ =	strace $0x80000048  }
0xb6: {  	_ =	swait.ge [sflag:s29], $0x1  }
0xb7: {  	[sflag:s29] =	ssyncadd.s32 $0xFFFFFFFF  }
0xb8: {  	_ =	strace $0x90000048  }
0xb9: {  	_ =	sfence  }
0xba: {  	s30 =	sld [smem:$0x0];
	_ =	sdelay $0x2  }
0xbb: {  	s31 =	sshll.u32 s1, $0xD;
	s1 =	sshrl.u32 s1, $0x2  }
0xbc: {  	s3 =	sand.u32 $0x4000, s31;
	s1 =	sadd.s32 s1, s30  }
0xbd: {  	s0 =	sor.u32 s3, s0;
	s1 =	sshll.u32 s1, $0x11  }
0xbe: {  	s0 =	sor.u32 s1, s0  }
0xbf: {  	s0 =	sadd.s32 $0x8F2B, s0  }
0xc0: {  	[sflag:s0] =	ssyncadd.remote.s32 $0x1  }
0xc1: {  	_ =	sfence.sel $0xFFFF  }
0xc2: {  	[dreg:$0x0] =	wrdreg $0xFFFFFFFF;
	(pc) =	sbr.abs _section_cstart, $3  }
0xc3: {  	[dreg:$0x1] =	wrdreg $0xFFFFFFFF  }
0xc4: {  	_ =	task.clear_ibuf [dreg:s9], $0x2FFFF;
	_ =	strace $0x9FFFFFFF  }
0xc5: {  	(tm) =	ssettm $0x7FFFFFFF  }
tec
execute0_lowered:
.L_overlay_start_1:
0x0: {  	(tag) =	ssettag $0x1  }
0x1: {  	s5 =	rddreg [dreg:$0x0]  }
0x2: {  	s1 =	rddreg [dreg:$0x1]  }
0x3: {  	s4 =	rddreg [dreg:$0x2]  }
0x4: {  	s0 =	rddreg [dreg:$0x3];
	s6 =	srdreg.scid  }
0x5: {  	s3 =	simm.s32 $0x0;
	s2 =	stileid.u32;
	s10 =	simm.s32 $0x1  }
0x6: {  	s11 =	simm.s32 $0x5E8;
	s12 =	simm.s32 $0x6E8;
	s13 =	simm.s32 $0x3  }
0x7: {  	s6 =	sand.u32 $0x1, s6;
	s8 =	sshll.u32 s2, $0x7;
	[smem:$0x7FF] =	sst s3  }
0x8: {  	s7 =	ssub.s32 $0x2, s6;
	s6 =	sshll.u32 s6, $0x6;
	_ =	strace $0x80000047  }
0x9: {  	s9 =	sshrl.u32 s7, $0x1;
	s6 =	sor.u32 s6, s8;
	s8 =	simm.s32 $0x3E8  }
0xa: {  	s7 =	ssub.s32 s7, s9;
	s4 =	sadd.s32 s4, s6;
	s5 =	sadd.s32 s5, s6  }
0xb: {  	s9 =	simm.s32 $0x2;
	s6 =	sadd.s32 $0x20, s4;
	s7 =	smax.u32 s7, $0x1  }
.LBB2_1:
0xc: {  	[tilespmem:s3], [sflag:$0x1] =	stream.linear.gather [hbm4b:s1+s3], $0x3E8, $0x38;
	[tilespmem:$0x9E8] =	vst v63  }
0xd: {  	_ = 	snop  }
0xe: {  	[tilespmem:s8], [sflag:$0x2] =	stream.linear.gather [hbm4b:s5+s3], $0x200, $0x38;
	[tilespmem:$0x9E8] =	vst v63  }
0xf: {  	_ =	swait.ge [sflag:s9], $0x200  }
0x10: {  	[sflag:s9] =	ssyncset.done $0x0  }
0x11: {  	[sflag:s9] =	ssyncadd.s32 $0xFFFFFE00  }
0x12: {  	v0 =	vld [tilespmem:$0x3F8]  }
0x13: {  	v1 =	vld [tilespmem:$0x408]  }
0x14: {  	v3 =	vld [tilespmem:$0x418]  }
0x15: {  	v4 =	vld [tilespmem:$0x428]  }
0x16: {  	v5 =	vld [tilespmem:$0x438]  }
0x17: {  	v7 =	vld [tilespmem:$0x458]  }
0x18: {  	v8 =	vld [tilespmem:$0x468]  }
0x19: {  	v9 =	vld [tilespmem:$0x478]  }
0x1a: {  	v10 =	vld [tilespmem:$0x488]  }
0x1b: {  	v11 =	vld [tilespmem:$0x498]  }
0x1c: {  	v12 =	vld [tilespmem:$0x4A8]  }
0x1d: {  	v13 =	vld [tilespmem:$0x4B8]  }
0x1e: {  	v14 =	vld [tilespmem:$0x4C8]  }
0x1f: {  	v15 =	vld [tilespmem:$0x4D8]  }
0x20: {  	v16 =	vld [tilespmem:$0x4E8]  }
0x21: {  	v17 =	vld [tilespmem:$0x4F8]  }
0x22: {  	v19 =	vld [tilespmem:$0x518]  }
0x23: {  	v22 =	vld [tilespmem:$0x528];
	v0 =	vmul.f32 $9.990000000e+02, v0  }
0x24: {  	v25 =	vld [tilespmem:$0x548];
	v1 =	vmul.f32 $9.990000000e+02, v1;
	v3 =	vmul.f32 $9.990000000e+02, v3  }
0x25: {  	v29 =	vld [tilespmem:$0x558];
	v4 =	vmul.f32 $9.990000000e+02, v4;
	v5 =	vmul.f32 $9.990000000e+02, v5  }
0x26: {  	v31 =	vld [tilespmem:$0x568];
	v7 =	vmul.f32 $9.990000000e+02, v7;
	v8 =	vmul.f32 $9.990000000e+02, v8  }
0x27: {  	v33 =	vld [tilespmem:$0x578];
	v9 =	vmul.f32 $9.990000000e+02, v9;
	v10 =	vmul.f32 $9.990000000e+02, v10  }
0x28: {  	v37 =	vld [tilespmem:$0x588];
	v11 =	vmul.f32 $9.990000000e+02, v11;
	v12 =	vmul.f32 $9.990000000e+02, v12  }
0x29: {  	v42 =	vld [tilespmem:$0x598];
	v13 =	vmul.f32 $9.990000000e+02, v13;
	v59 =	vmul.f32 $9.990000000e+02, v14  }
0x2a: {  	v44 =	vld [tilespmem:$0x5A8];
	v63 =	vmul.f32 $9.990000000e+02, v15;
	v18 =	vmul.f32 $9.990000000e+02, v16  }
0x2b: {  	v45 =	vld [tilespmem:$0x5B8];
	v21 =	vmul.f32 $9.990000000e+02, v17;
	v27 =	vmul.f32 $9.990000000e+02, v19  }
0x2c: {  	v2 =	vld [tilespmem:$0x3E8];
	v28 =	vmul.f32 $9.990000000e+02, v22;
	v35 =	vmul.f32 $9.990000000e+02, v25  }
0x2d: {  	v39 =	vmul.f32 $9.990000000e+02, v29;
	v41 =	vmul.f32 $9.990000000e+02, v31  }
0x2e: {  	v43 =	vmul.f32 $9.990000000e+02, v33;
	v47 =	vmul.f32 $9.990000000e+02, v37  }
0x2f: {  	v51 =	vmul.f32 $9.990000000e+02, v42;
	v52 =	vmul.f32 $9.990000000e+02, v44  }
0x30: {  	v55 =	vmul.f32 $9.990000000e+02, v45;
	v6 =	vtrunc.f32 v0  }
0x31: {  	v0 =	vmul.f32 $9.990000000e+02, v2;
	v1 =	vtrunc.f32 v1  }
0x32: {  	v3 =	vtrunc.f32 v3;
	v4 =	vtrunc.f32 v4  }
0x33: {  	v5 =	vtrunc.f32 v5;
	v7 =	vtrunc.f32 v7  }
0x34: {  	v8 =	vtrunc.f32 v8;
	v56 =	vcvt.f32.s32 v6  }
0x35: {  	v9 =	vtrunc.f32 v9;
	v1 =	vcvt.f32.s32 v1  }
0x36: {  	v10 =	vtrunc.f32 v10;
	v3 =	vcvt.f32.s32 v3;
	[tilespmem:$0x7F8] =	vst v56  }
0x37: {  	v11 =	vtrunc.f32 v11;
	v4 =	vcvt.f32.s32 v4;
	[tilespmem:$0x808] =	vst v1  }
0x38: {  	v12 =	vtrunc.f32 v12;
	v5 =	vcvt.f32.s32 v5;
	[tilespmem:$0x818] =	vst v3  }
0x39: {  	v58 =	vtrunc.f32 v13;
	v7 =	vcvt.f32.s32 v7;
	[tilespmem:$0x828] =	vst v4  }
0x3a: {  	v62 =	vtrunc.f32 v59;
	v8 =	vcvt.f32.s32 v8;
	[tilespmem:$0x838] =	vst v5  }
0x3b: {  	v20 =	vtrunc.f32 v63;
	v9 =	vcvt.f32.s32 v9;
	[tilespmem:$0x858] =	vst v7  }
0x3c: {  	v57 =	vld [tilespmem:$0x448];
	v24 =	vtrunc.f32 v21;
	v10 =	vcvt.f32.s32 v10;
	[tilespmem:$0x868] =	vst v8  }
0x3d: {  	v61 =	vld [tilespmem:$0x508];
	v30 =	vtrunc.f32 v27;
	v11 =	vcvt.f32.s32 v11;
	[tilespmem:$0x878] =	vst v9  }
0x3e: {  	v38 =	vtrunc.f32 v35;
	v60 =	vcvt.f32.s32 v12;
	[tilespmem:$0x888] =	vst v10  }
0x3f: {  	v46 =	vtrunc.f32 v43;
	v2 =	vcvt.f32.s32 v58;
	[tilespmem:$0x898] =	vst v11  }
0x40: {  	v54 =	vtrunc.f32 v51;
	v32 =	vcvt.f32.s32 v30;
	[tilespmem:$0x8A8] =	vst v60  }
0x41: {  	v6 =	vmul.f32 $9.990000000e+02, v57;
	v40 =	vcvt.f32.s32 v38;
	[tilespmem:$0x8B8] =	vst v2  }
0x42: {  	v12 =	vmul.f32 $9.990000000e+02, v61;
	v3 =	vcvt.f32.s32 v62;
	[tilespmem:$0x918] =	vst v32  }
0x43: {  	v57 =	vtrunc.f32 v55;
	v5 =	vcvt.f32.s32 v20;
	[tilespmem:$0x948] =	vst v40  }
0x44: {  	v53 =	vld [tilespmem:$0x5D8];
	v0 =	vtrunc.f32 v0;
	v7 =	vcvt.f32.s32 v24;
	[tilespmem:$0x8C8] =	vst v3  }
0x45: {  	v6 =	vtrunc.f32 v6;
	v1 =	vcvt.f32.s32 v46;
	[tilespmem:$0x8D8] =	vst v5  }
0x46: {  	v4 =	vtrunc.f32 v18;
	v56 =	vcvt.f32.s32 v54;
	[tilespmem:$0x8F8] =	vst v7  }
0x47: {  	v23 =	vld [tilespmem:$0x538];
	v26 =	vtrunc.f32 v12;
	v0 =	vcvt.f32.s32 v0;
	[tilespmem:$0x978] =	vst v1  }
0x48: {  	v10 =	vtrunc.f32 v28;
	v6 =	vcvt.f32.s32 v6;
	[tilespmem:$0x998] =	vst v56  }
0x49: {  	v49 =	vld [tilespmem:$0x5C8];
	v60 =	vmul.f32 $9.990000000e+02, v53;
	v4 =	vcvt.f32.s32 v4;
	[tilespmem:$0x7E8] =	vst v0  }
0x4a: {  	v9 =	vcvt.f32.s32 v26;
	v36 =	vcvt.f32.s32 v10;
	[tilespmem:$0x848] =	vst v6  }
0x4b: {  	v5 =	vtrunc.f32 v41;
	v1 =	vcvt.f32.s32 v57;
	[tilespmem:$0x8E8] =	vst v4  }
0x4c: {  	v62 =	vtrunc.f32 v60;
	v6 =	vmul.f32 $9.990000000e+02, v23;
	[tilespmem:$0x908] =	vst v9  }
0x4d: {  	[tilespmem:$0x928] =	vst v36;
	v48 =	vcvt.f32.s32 v5;
	v4 =	vtrunc.f32 v52  }
0x4e: {  	v5 =	vmul.f32 $9.990000000e+02, v49;
	v58 =	vcvt.f32.s32 v4;
	[tilespmem:$0x9B8] =	vst v1  }
0x4f: {  	v1 =	vcvt.f32.s32 v62;
	v34 =	vtrunc.f32 v6;
	[tilespmem:$0x968] =	vst v48  }
0x50: {  	v6 =	vtrunc.f32 v39;
	v2 =	vcvt.f32.s32 v34;
	[tilespmem:$0x9A8] =	vst v58  }
0x51: {  	v59 =	vtrunc.f32 v5;
	v6 =	vcvt.f32.s32 v6;
	[tilespmem:$0x9D8] =	vst v1  }
0x52: {  	v50 =	vtrunc.f32 v47;
	v61 =	vcvt.f32.s32 v59;
	[tilespmem:$0x938] =	vst v2  }
0x53: {  	v2 =	vcvt.f32.s32 v50;
	[tilespmem:$0x958] =	vst v6  }
0x54: {  	[tilespmem:$0x9C8] =	vst v61  }
0x55: {  	[tilespmem:$0x988] =	vst v2  }
0x56: {  	_ =	swait.ge [sflag:s10], $0x3E8  }
0x57: {  	[sflag:s10] =	ssyncset.done $0x0  }
0x58: {  	[sflag:s10] =	ssyncadd.s32 $0xFFFFFC18  }
0x59: {  	v0 =	vld.idx.msk [tilespmem:v0+s3+$0x0], $0xffff;
	_ =	sdelay $0x4  }
0x5a: {  	v0 =	vsub.f32 $0.0e+00, v0;
	_ =	sdelay $0x1  }
0x5b: {  	v0 =	vmul.f32 $1.442695020e+00, v0;
	_ =	sdelay $0x1  }
0x5c: {  	(erf) = vpow2.f32 v0;
	_ =	sdelay $0x8  }
0x5d: {  	v0 =	vpop (erf)  }
0x5e: {  	v0 =	vadd.f32 $1.000000000e+00, v0;
	_ =	sdelay $0x1  }
0x5f: {  	(erf) = vrcp.f32 v0;
	_ =	sdelay $0x6  }
0x60: {  	v63 =	vld [tilespmem:$0x7F8];
	_ =	sdelay $0x1  }
0x61: {  	v4 =	vpop (erf)  }
0x62: {  	v1 =	vmul.f32 $1.989999970e-02, v4;
	_ =	sdelay $0x1  }
0x63: {  	v1 =	vadd.f32 $9.999999740e-05, v1;
	_ =	sdelay $0x1  }
0x64: {  	[tilespmem:$0x5E8] =	vst v1  }
0x65: {  	v0 =	vld.idx.msk [tilespmem:v63+s3+$0x0], $0xffff;
	_ =	sdelay $0x4  }
0x66: {  	v0 =	vsub.f32 $0.0e+00, v0;
	_ =	sdelay $0x1  }
0x67: {  	v0 =	vmul.f32 $1.442695020e+00, v0;
	_ =	sdelay $0x1  }
0x68: {  	(erf) = vpow2.f32 v0;
	_ =	sdelay $0x8  }
0x69: {  	v0 =	vpop (erf)  }
0x6a: {  	v0 =	vadd.f32 $1.000000000e+00, v0;
	_ =	sdelay $0x1  }
0x6b: {  	(erf) = vrcp.f32 v0;
	_ =	sdelay $0x6  }
0x6c: {  	v5 =	vld [tilespmem:$0x808];
	_ =	sdelay $0x1  }
0x6d: {  	v6 =	vpop (erf)  }
0x6e: {  	v1 =	vmul.f32 $1.989999970e-02, v6;
	_ =	sdelay $0x1  }
0x6f: {  	v1 =	vadd.f32 $9.999999740e-05, v1;
	_ =	sdelay $0x1  }
0x70: {  	[tilespmem:$0x5F8] =	vst v1  }
0x71: {  	v0 =	vld.idx.msk [tilespmem:v5+s3+$0x0], $0xffff;
	_ =	sdelay $0x4  }
0x72: {  	v0 =	vsub.f32 $0.0e+00, v0;
	_ =	sdelay $0x1  }
0x73: {  	v0 =	vmul.f32 $1.442695020e+00, v0;
	_ =	sdelay $0x1  }
0x74: {  	(erf) = vpow2.f32 v0;
	_ =	sdelay $0x8  }
0x75: {  	v0 =	vpop (erf)  }
0x76: {  	v0 =	vadd.f32 $1.000000000e+00, v0;
	_ =	sdelay $0x1  }
0x77: {  	(erf) = vrcp.f32 v0;
	_ =	sdelay $0x6  }
0x78: {  	v7 =	vld [tilespmem:$0x818];
	_ =	sdelay $0x1  }
0x79: {  	v8 =	vpop (erf)  }
0x7a: {  	v1 =	vmul.f32 $1.989999970e-02, v8;
	_ =	sdelay $0x1  }
0x7b: {  	v1 =	vadd.f32 $9.999999740e-05, v1;
	_ =	sdelay $0x1  }
0x7c: {  	[tilespmem:$0x608] =	vst v1  }
0x7d: {  	v0 =	vld.idx.msk [tilespmem:v7+s3+$0x0], $0xffff;
	_ =	sdelay $0x4  }
0x7e: {  	v0 =	vsub.f32 $0.0e+00, v0;
	_ =	sdelay $0x1  }
0x7f: {  	v0 =	vmul.f32 $1.442695020e+00, v0;
	_ =	sdelay $0x1  }
0x80: {  	(erf) = vpow2.f32 v0;
	_ =	sdelay $0x8  }
0x81: {  	v0 =	vpop (erf)  }
0x82: {  	v0 =	vadd.f32 $1.000000000e+00, v0;
	_ =	sdelay $0x1  }
0x83: {  	(erf) = vrcp.f32 v0;
	_ =	sdelay $0x6  }
0x84: {  	v9 =	vld [tilespmem:$0x828];
	_ =	sdelay $0x1  }
0x85: {  	v10 =	vpop (erf)  }
0x86: {  	v1 =	vmul.f32 $1.989999970e-02, v10;
	_ =	sdelay $0x1  }
0x87: {  	v1 =	vadd.f32 $9.999999740e-05, v1;
	_ =	sdelay $0x1  }
0x88: {  	[tilespmem:$0x618] =	vst v1  }
0x89: {  	v0 =	vld.idx.msk [tilespmem:v9+s3+$0x0], $0xffff;
	_ =	sdelay $0x4  }
0x8a: {  	v0 =	vsub.f32 $0.0e+00, v0;
	_ =	sdelay $0x1  }
0x8b: {  	v0 =	vmul.f32 $1.442695020e+00, v0;
	_ =	sdelay $0x1  }
0x8c: {  	(erf) = vpow2.f32 v0;
	_ =	sdelay $0x8  }
0x8d: {  	v0 =	vpop (erf)  }
0x8e: {  	v0 =	vadd.f32 $1.000000000e+00, v0;
	_ =	sdelay $0x1  }
0x8f: {  	(erf) = vrcp.f32 v0;
	_ =	sdelay $0x6  }
0x90: {  	v11 =	vld [tilespmem:$0x838];
	_ =	sdelay $0x1  }
0x91: {  	v12 =	vpop (erf)  }
0x92: {  	v1 =	vmul.f32 $1.989999970e-02, v12;
	_ =	sdelay $0x1  }
0x93: {  	v1 =	vadd.f32 $9.999999740e-05, v1;
	_ =	sdelay $0x1  }
0x94: {  	[tilespmem:$0x628] =	vst v1  }
0x95: {  	v0 =	vld.idx.msk [tilespmem:v11+s3+$0x0], $0xffff;
	_ =	sdelay $0x4  }
0x96: {  	v0 =	vsub.f32 $0.0e+00, v0;
	_ =	sdelay $0x1  }
0x97: {  	v0 =	vmul.f32 $1.442695020e+00, v0;
	_ =	sdelay $0x1  }
0x98: {  	(erf) = vpow2.f32 v0;
	_ =	sdelay $0x8  }
0x99: {  	v0 =	vpop (erf)  }
0x9a: {  	v0 =	vadd.f32 $1.000000000e+00, v0;
	_ =	sdelay $0x1  }
0x9b: {  	(erf) = vrcp.f32 v0;
	_ =	sdelay $0x6  }
0x9c: {  	v13 =	vld [tilespmem:$0x848];
	_ =	sdelay $0x1  }
0x9d: {  	v14 =	vpop (erf)  }
0x9e: {  	v1 =	vmul.f32 $1.989999970e-02, v14;
	_ =	sdelay $0x1  }
0x9f: {  	v1 =	vadd.f32 $9.999999740e-05, v1;
	_ =	sdelay $0x1  }
0xa0: {  	[tilespmem:$0x638] =	vst v1  }
0xa1: {  	v0 =	vld.idx.msk [tilespmem:v13+s3+$0x0], $0xffff;
	_ =	sdelay $0x4  }
0xa2: {  	v0 =	vsub.f32 $0.0e+00, v0;
	_ =	sdelay $0x1  }
0xa3: {  	v0 =	vmul.f32 $1.442695020e+00, v0;
	_ =	sdelay $0x1  }
0xa4: {  	(erf) = vpow2.f32 v0;
	_ =	sdelay $0x8  }
0xa5: {  	v0 =	vpop (erf)  }
0xa6: {  	v0 =	vadd.f32 $1.000000000e+00, v0;
	_ =	sdelay $0x1  }
0xa7: {  	(erf) = vrcp.f32 v0;
	_ =	sdelay $0x6  }
0xa8: {  	v15 =	vld [tilespmem:$0x858];
	_ =	sdelay $0x1  }
0xa9: {  	v16 =	vpop (erf)  }
0xaa: {  	v1 =	vmul.f32 $1.989999970e-02, v16;
	_ =	sdelay $0x1  }
0xab: {  	v1 =	vadd.f32 $9.999999740e-05, v1;
	_ =	sdelay $0x1  }
0xac: {  	[tilespmem:$0x648] =	vst v1  }
0xad: {  	v0 =	vld.idx.msk [tilespmem:v15+s3+$0x0], $0xffff;
	_ =	sdelay $0x4  }
0xae: {  	v0 =	vsub.f32 $0.0e+00, v0;
	_ =	sdelay $0x1  }
0xaf: {  	v0 =	vmul.f32 $1.442695020e+00, v0;
	_ =	sdelay $0x1  }
0xb0: {  	(erf) = vpow2.f32 v0;
	_ =	sdelay $0x8  }
0xb1: {  	v0 =	vpop (erf)  }
0xb2: {  	v0 =	vadd.f32 $1.000000000e+00, v0;
	_ =	sdelay $0x1  }
0xb3: {  	(erf) = vrcp.f32 v0;
	_ =	sdelay $0x6  }
0xb4: {  	v17 =	vld [tilespmem:$0x868];
	_ =	sdelay $0x1  }
0xb5: {  	v18 =	vpop (erf)  }
0xb6: {  	v1 =	vmul.f32 $1.989999970e-02, v18;
	_ =	sdelay $0x1  }
0xb7: {  	v1 =	vadd.f32 $9.999999740e-05, v1;
	_ =	sdelay $0x1  }
0xb8: {  	[tilespmem:$0x658] =	vst v1  }
0xb9: {  	v0 =	vld.idx.msk [tilespmem:v17+s3+$0x0], $0xffff;
	_ =	sdelay $0x4  }
0xba: {  	v0 =	vsub.f32 $0.0e+00, v0;
	_ =	sdelay $0x1  }
0xbb: {  	v0 =	vmul.f32 $1.442695020e+00, v0;
	_ =	sdelay $0x1  }
0xbc: {  	(erf) = vpow2.f32 v0;
	_ =	sdelay $0x8  }
0xbd: {  	v0 =	vpop (erf)  }
0xbe: {  	v0 =	vadd.f32 $1.000000000e+00, v0;
	_ =	sdelay $0x1  }
0xbf: {  	(erf) = vrcp.f32 v0;
	_ =	sdelay $0x6  }
0xc0: {  	v19 =	vld [tilespmem:$0x878];
	_ =	sdelay $0x1  }
0xc1: {  	v20 =	vpop (erf)  }
0xc2: {  	v1 =	vmul.f32 $1.989999970e-02, v20;
	_ =	sdelay $0x1  }
0xc3: {  	v1 =	vadd.f32 $9.999999740e-05, v1;
	_ =	sdelay $0x1  }
0xc4: {  	[tilespmem:$0x668] =	vst v1  }
0xc5: {  	v0 =	vld.idx.msk [tilespmem:v19+s3+$0x0], $0xffff;
	_ =	sdelay $0x4  }
0xc6: {  	v0 =	vsub.f32 $0.0e+00, v0;
	_ =	sdelay $0x1  }
0xc7: {  	v0 =	vmul.f32 $1.442695020e+00, v0;
	_ =	sdelay $0x1  }
0xc8: {  	(erf) = vpow2.f32 v0;
	_ =	sdelay $0x8  }
0xc9: {  	v0 =	vpop (erf)  }
0xca: {  	v0 =	vadd.f32 $1.000000000e+00, v0;
	_ =	sdelay $0x1  }
0xcb: {  	(erf) = vrcp.f32 v0;
	_ =	sdelay $0x6  }
0xcc: {  	v21 =	vld [tilespmem:$0x888];
	_ =	sdelay $0x1  }
0xcd: {  	v22 =	vpop (erf)  }
0xce: {  	v1 =	vmul.f32 $1.989999970e-02, v22;
	_ =	sdelay $0x1  }
0xcf: {  	v1 =	vadd.f32 $9.999999740e-05, v1;
	_ =	sdelay $0x1  }
0xd0: {  	[tilespmem:$0x678] =	vst v1  }
0xd1: {  	v0 =	vld.idx.msk [tilespmem:v21+s3+$0x0], $0xffff;
	_ =	sdelay $0x4  }
0xd2: {  	v0 =	vsub.f32 $0.0e+00, v0;
	_ =	sdelay $0x1  }
0xd3: {  	v0 =	vmul.f32 $1.442695020e+00, v0;
	_ =	sdelay $0x1  }
0xd4: {  	(erf) = vpow2.f32 v0;
	_ =	sdelay $0x8  }
0xd5: {  	v0 =	vpop (erf)  }
0xd6: {  	v0 =	vadd.f32 $1.000000000e+00, v0;
	_ =	sdelay $0x1  }
0xd7: {  	(erf) = vrcp.f32 v0;
	_ =	sdelay $0x6  }
0xd8: {  	v23 =	vld [tilespmem:$0x898];
	_ =	sdelay $0x1  }
0xd9: {  	v24 =	vpop (erf)  }
0xda: {  	v1 =	vmul.f32 $1.989999970e-02, v24;
	_ =	sdelay $0x1  }
0xdb: {  	v1 =	vadd.f32 $9.999999740e-05, v1;
	_ =	sdelay $0x1  }
0xdc: {  	[tilespmem:$0x688] =	vst v1  }
0xdd: {  	v0 =	vld.idx.msk [tilespmem:v23+s3+$0x0], $0xffff;
	_ =	sdelay $0x4  }
0xde: {  	v0 =	vsub.f32 $0.0e+00, v0;
	_ =	sdelay $0x1  }
0xdf: {  	v0 =	vmul.f32 $1.442695020e+00, v0;
	_ =	sdelay $0x1  }
0xe0: {  	(erf) = vpow2.f32 v0;
	_ =	sdelay $0x8  }
0xe1: {  	v0 =	vpop (erf)  }
0xe2: {  	v0 =	vadd.f32 $1.000000000e+00, v0;
	_ =	sdelay $0x1  }
0xe3: {  	(erf) = vrcp.f32 v0;
	_ =	sdelay $0x6  }
0xe4: {  	v25 =	vld [tilespmem:$0x8A8];
	_ =	sdelay $0x1  }
0xe5: {  	v26 =	vpop (erf)  }
0xe6: {  	v1 =	vmul.f32 $1.989999970e-02, v26;
	_ =	sdelay $0x1  }
0xe7: {  	v1 =	vadd.f32 $9.999999740e-05, v1;
	_ =	sdelay $0x1  }
0xe8: {  	[tilespmem:$0x698] =	vst v1  }
0xe9: {  	v0 =	vld.idx.msk [tilespmem:v25+s3+$0x0], $0xffff;
	_ =	sdelay $0x4  }
0xea: {  	v0 =	vsub.f32 $0.0e+00, v0;
	_ =	sdelay $0x1  }
0xeb: {  	v0 =	vmul.f32 $1.442695020e+00, v0;
	_ =	sdelay $0x1  }
0xec: {  	(erf) = vpow2.f32 v0;
	_ =	sdelay $0x8  }
0xed: {  	v0 =	vpop (erf)  }
0xee: {  	v0 =	vadd.f32 $1.000000000e+00, v0;
	_ =	sdelay $0x1  }
0xef: {  	(erf) = vrcp.f32 v0;
	_ =	sdelay $0x6  }
0xf0: {  	v27 =	vld [tilespmem:$0x8B8];
	_ =	sdelay $0x1  }
0xf1: {  	v28 =	vpop (erf)  }
0xf2: {  	v1 =	vmul.f32 $1.989999970e-02, v28;
	_ =	sdelay $0x1  }
0xf3: {  	v1 =	vadd.f32 $9.999999740e-05, v1;
	_ =	sdelay $0x1  }
0xf4: {  	[tilespmem:$0x6A8] =	vst v1  }
0xf5: {  	v0 =	vld.idx.msk [tilespmem:v27+s3+$0x0], $0xffff;
	_ =	sdelay $0x4  }
0xf6: {  	v0 =	vsub.f32 $0.0e+00, v0;
	_ =	sdelay $0x1  }
0xf7: {  	v0 =	vmul.f32 $1.442695020e+00, v0;
	_ =	sdelay $0x1  }
0xf8: {  	(erf) = vpow2.f32 v0;
	_ =	sdelay $0x8  }
0xf9: {  	v0 =	vpop (erf)  }
0xfa: {  	v0 =	vadd.f32 $1.000000000e+00, v0;
	_ =	sdelay $0x1  }
0xfb: {  	(erf) = vrcp.f32 v0;
	_ =	sdelay $0x6  }
0xfc: {  	v29 =	vld [tilespmem:$0x8C8];
	_ =	sdelay $0x1  }
0xfd: {  	v30 =	vpop (erf)  }
0xfe: {  	v1 =	vmul.f32 $1.989999970e-02, v30;
	_ =	sdelay $0x1  }
0xff: {  	v1 =	vadd.f32 $9.999999740e-05, v1;
	_ =	sdelay $0x1  }
0x100: {  	[tilespmem:$0x6B8] =	vst v1  }
0x101: {  	v0 =	vld.idx.msk [tilespmem:v29+s3+$0x0], $0xffff;
	_ =	sdelay $0x4  }
0x102: {  	v0 =	vsub.f32 $0.0e+00, v0;
	_ =	sdelay $0x1  }
0x103: {  	v0 =	vmul.f32 $1.442695020e+00, v0;
	_ =	sdelay $0x1  }
0x104: {  	(erf) = vpow2.f32 v0;
	_ =	sdelay $0x8  }
0x105: {  	v0 =	vpop (erf)  }
0x106: {  	v0 =	vadd.f32 $1.000000000e+00, v0;
	_ =	sdelay $0x1  }
0x107: {  	(erf) = vrcp.f32 v0;
	_ =	sdelay $0x6  }
0x108: {  	v31 =	vld [tilespmem:$0x8D8];
	_ =	sdelay $0x1  }
0x109: {  	v32 =	vpop (erf)  }
0x10a: {  	v1 =	vmul.f32 $1.989999970e-02, v32;
	_ =	sdelay $0x1  }
0x10b: {  	v1 =	vadd.f32 $9.999999740e-05, v1;
	_ =	sdelay $0x1  }
0x10c: {  	[tilespmem:$0x6C8] =	vst v1  }
0x10d: {  	v0 =	vld.idx.msk [tilespmem:v31+s3+$0x0], $0xffff;
	_ =	sdelay $0x4  }
0x10e: {  	v0 =	vsub.f32 $0.0e+00, v0;
	_ =	sdelay $0x1  }
0x10f: {  	v0 =	vmul.f32 $1.442695020e+00, v0;
	_ =	sdelay $0x1  }
0x110: {  	(erf) = vpow2.f32 v0;
	_ =	sdelay $0x8  }
0x111: {  	v0 =	vpop (erf)  }
0x112: {  	v0 =	vadd.f32 $1.000000000e+00, v0;
	_ =	sdelay $0x1  }
0x113: {  	(erf) = vrcp.f32 v0;
	_ =	sdelay $0x8  }
0x114: {  	v0 =	vpop (erf)  }
0x115: {  	v0 =	vmul.f32 $1.989999970e-02, v0;
	_ =	sdelay $0x1  }
0x116: {  	v0 =	vadd.f32 $9.999999740e-05, v0;
	_ =	sdelay $0x1  }
0x117: {  	[tilespmem:$0x6D8] =	vst v0  }
0x118: {  	[hbm4b:s4+s3] =	stream.linear.scatter [tilespmem:s11], [sflag:$0x3], $0x100, $0x38;
	[tilespmem:$0x9E8] =	vst v63  }
0x119: {  	v33 =	vld [tilespmem:$0x8E8];
	_ =	sdelay $0x7  }
0x11a: {  	v0 =	vld.idx.msk [tilespmem:v33+s3+$0x0], $0xffff;
	_ =	sdelay $0x4  }
0x11b: {  	v0 =	vsub.f32 $0.0e+00, v0;
	_ =	sdelay $0x1  }
0x11c: {  	v0 =	vmul.f32 $1.442695020e+00, v0;
	_ =	sdelay $0x1  }
0x11d: {  	(erf) = vpow2.f32 v0;
	_ =	sdelay $0x8  }
0x11e: {  	v0 =	vpop (erf)  }
0x11f: {  	v0 =	vadd.f32 $1.000000000e+00, v0;
	_ =	sdelay $0x1  }
0x120: {  	(erf) = vrcp.f32 v0;
	_ =	sdelay $0x6  }
0x121: {  	v34 =	vld [tilespmem:$0x8F8];
	_ =	sdelay $0x1  }
0x122: {  	v35 =	vpop (erf)  }
0x123: {  	v1 =	vmul.f32 $1.989999970e-02, v35;
	_ =	sdelay $0x1  }
0x124: {  	v1 =	vadd.f32 $9.999999740e-05, v1;
	_ =	sdelay $0x1  }
0x125: {  	[tilespmem:$0x6E8] =	vst v1  }
0x126: {  	v0 =	vld.idx.msk [tilespmem:v34+s3+$0x0], $0xffff;
	_ =	sdelay $0x4  }
0x127: {  	v0 =	vsub.f32 $0.0e+00, v0;
	_ =	sdelay $0x1  }
0x128: {  	v0 =	vmul.f32 $1.442695020e+00, v0;
	_ =	sdelay $0x1  }
0x129: {  	(erf) = vpow2.f32 v0;
	_ =	sdelay $0x8  }
0x12a: {  	v0 =	vpop (erf)  }
0x12b: {  	v0 =	vadd.f32 $1.000000000e+00, v0;
	_ =	sdelay $0x1  }
0x12c: {  	(erf) = vrcp.f32 v0;
	_ =	sdelay $0x6  }
0x12d: {  	v36 =	vld [tilespmem:$0x908];
	_ =	sdelay $0x1  }
0x12e: {  	v37 =	vpop (erf)  }
0x12f: {  	v1 =	vmul.f32 $1.989999970e-02, v37;
	_ =	sdelay $0x1  }
0x130: {  	v1 =	vadd.f32 $9.999999740e-05, v1;
	_ =	sdelay $0x1  }
0x131: {  	[tilespmem:$0x6F8] =	vst v1  }
0x132: {  	v0 =	vld.idx.msk [tilespmem:v36+s3+$0x0], $0xffff;
	_ =	sdelay $0x4  }
0x133: {  	v0 =	vsub.f32 $0.0e+00, v0;
	_ =	sdelay $0x1  }
0x134: {  	v0 =	vmul.f32 $1.442695020e+00, v0;
	_ =	sdelay $0x1  }
0x135: {  	(erf) = vpow2.f32 v0;
	_ =	sdelay $0x8  }
0x136: {  	v0 =	vpop (erf)  }
0x137: {  	v0 =	vadd.f32 $1.000000000e+00, v0;
	_ =	sdelay $0x1  }
0x138: {  	(erf) = vrcp.f32 v0;
	_ =	sdelay $0x6  }
0x139: {  	v38 =	vld [tilespmem:$0x918];
	_ =	sdelay $0x1  }
0x13a: {  	v39 =	vpop (erf)  }
0x13b: {  	v1 =	vmul.f32 $1.989999970e-02, v39;
	_ =	sdelay $0x1  }
0x13c: {  	v1 =	vadd.f32 $9.999999740e-05, v1;
	_ =	sdelay $0x1  }
0x13d: {  	[tilespmem:$0x708] =	vst v1  }
0x13e: {  	v0 =	vld.idx.msk [tilespmem:v38+s3+$0x0], $0xffff;
	_ =	sdelay $0x4  }
0x13f: {  	v0 =	vsub.f32 $0.0e+00, v0;
	_ =	sdelay $0x1  }
0x140: {  	v0 =	vmul.f32 $1.442695020e+00, v0;
	_ =	sdelay $0x1  }
0x141: {  	(erf) = vpow2.f32 v0;
	_ =	sdelay $0x8  }
0x142: {  	v0 =	vpop (erf)  }
0x143: {  	v0 =	vadd.f32 $1.000000000e+00, v0;
	_ =	sdelay $0x1  }
0x144: {  	(erf) = vrcp.f32 v0;
	_ =	sdelay $0x6  }
0x145: {  	v40 =	vld [tilespmem:$0x928];
	_ =	sdelay $0x1  }
0x146: {  	v41 =	vpop (erf)  }
0x147: {  	v1 =	vmul.f32 $1.989999970e-02, v41;
	_ =	sdelay $0x1  }
0x148: {  	v1 =	vadd.f32 $9.999999740e-05, v1;
	_ =	sdelay $0x1  }
0x149: {  	[tilespmem:$0x718] =	vst v1  }
0x14a: {  	v0 =	vld.idx.msk [tilespmem:v40+s3+$0x0], $0xffff;
	_ =	sdelay $0x4  }
0x14b: {  	v0 =	vsub.f32 $0.0e+00, v0;
	_ =	sdelay $0x1  }
0x14c: {  	v0 =	vmul.f32 $1.442695020e+00, v0;
	_ =	sdelay $0x1  }
0x14d: {  	(erf) = vpow2.f32 v0;
	_ =	sdelay $0x8  }
0x14e: {  	v0 =	vpop (erf)  }
0x14f: {  	v0 =	vadd.f32 $1.000000000e+00, v0;
	_ =	sdelay $0x1  }
0x150: {  	(erf) = vrcp.f32 v0;
	_ =	sdelay $0x6  }
0x151: {  	v42 =	vld [tilespmem:$0x938];
	_ =	sdelay $0x1  }
0x152: {  	v43 =	vpop (erf)  }
0x153: {  	v1 =	vmul.f32 $1.989999970e-02, v43;
	_ =	sdelay $0x1  }
0x154: {  	v1 =	vadd.f32 $9.999999740e-05, v1;
	_ =	sdelay $0x1  }
0x155: {  	[tilespmem:$0x728] =	vst v1  }
0x156: {  	v0 =	vld.idx.msk [tilespmem:v42+s3+$0x0], $0xffff;
	_ =	sdelay $0x4  }
0x157: {  	v0 =	vsub.f32 $0.0e+00, v0;
	_ =	sdelay $0x1  }
0x158: {  	v0 =	vmul.f32 $1.442695020e+00, v0;
	_ =	sdelay $0x1  }
0x159: {  	(erf) = vpow2.f32 v0;
	_ =	sdelay $0x8  }
0x15a: {  	v0 =	vpop (erf)  }
0x15b: {  	v0 =	vadd.f32 $1.000000000e+00, v0;
	_ =	sdelay $0x1  }
0x15c: {  	(erf) = vrcp.f32 v0;
	_ =	sdelay $0x6  }
0x15d: {  	v44 =	vld [tilespmem:$0x948];
	_ =	sdelay $0x1  }
0x15e: {  	v45 =	vpop (erf)  }
0x15f: {  	v1 =	vmul.f32 $1.989999970e-02, v45;
	_ =	sdelay $0x1  }
0x160: {  	v1 =	vadd.f32 $9.999999740e-05, v1;
	_ =	sdelay $0x1  }
0x161: {  	[tilespmem:$0x738] =	vst v1  }
0x162: {  	v0 =	vld.idx.msk [tilespmem:v44+s3+$0x0], $0xffff;
	_ =	sdelay $0x4  }
0x163: {  	v0 =	vsub.f32 $0.0e+00, v0;
	_ =	sdelay $0x1  }
0x164: {  	v0 =	vmul.f32 $1.442695020e+00, v0;
	_ =	sdelay $0x1  }
0x165: {  	(erf) = vpow2.f32 v0;
	_ =	sdelay $0x8  }
0x166: {  	v0 =	vpop (erf)  }
0x167: {  	v0 =	vadd.f32 $1.000000000e+00, v0;
	_ =	sdelay $0x1  }
0x168: {  	(erf) = vrcp.f32 v0;
	_ =	sdelay $0x6  }
0x169: {  	v46 =	vld [tilespmem:$0x958];
	_ =	sdelay $0x1  }
0x16a: {  	v47 =	vpop (erf)  }
0x16b: {  	v1 =	vmul.f32 $1.989999970e-02, v47;
	_ =	sdelay $0x1  }
0x16c: {  	v1 =	vadd.f32 $9.999999740e-05, v1;
	_ =	sdelay $0x1  }
0x16d: {  	[tilespmem:$0x748] =	vst v1  }
0x16e: {  	v0 =	vld.idx.msk [tilespmem:v46+s3+$0x0], $0xffff;
	_ =	sdelay $0x4  }
0x16f: {  	v0 =	vsub.f32 $0.0e+00, v0;
	_ =	sdelay $0x1  }
0x170: {  	v0 =	vmul.f32 $1.442695020e+00, v0;
	_ =	sdelay $0x1  }
0x171: {  	(erf) = vpow2.f32 v0;
	_ =	sdelay $0x8  }
0x172: {  	v0 =	vpop (erf)  }
0x173: {  	v0 =	vadd.f32 $1.000000000e+00, v0;
	_ =	sdelay $0x1  }
0x174: {  	(erf) = vrcp.f32 v0;
	_ =	sdelay $0x6  }
0x175: {  	v48 =	vld [tilespmem:$0x968];
	_ =	sdelay $0x1  }
0x176: {  	v49 =	vpop (erf)  }
0x177: {  	v1 =	vmul.f32 $1.989999970e-02, v49;
	_ =	sdelay $0x1  }
0x178: {  	v1 =	vadd.f32 $9.999999740e-05, v1;
	_ =	sdelay $0x1  }
0x179: {  	[tilespmem:$0x758] =	vst v1  }
0x17a: {  	v0 =	vld.idx.msk [tilespmem:v48+s3+$0x0], $0xffff;
	_ =	sdelay $0x4  }
0x17b: {  	v0 =	vsub.f32 $0.0e+00, v0;
	_ =	sdelay $0x1  }
0x17c: {  	v0 =	vmul.f32 $1.442695020e+00, v0;
	_ =	sdelay $0x1  }
0x17d: {  	(erf) = vpow2.f32 v0;
	_ =	sdelay $0x8  }
0x17e: {  	v0 =	vpop (erf)  }
0x17f: {  	v0 =	vadd.f32 $1.000000000e+00, v0;
	_ =	sdelay $0x1  }
0x180: {  	(erf) = vrcp.f32 v0;
	_ =	sdelay $0x6  }
0x181: {  	v50 =	vld [tilespmem:$0x978];
	_ =	sdelay $0x1  }
0x182: {  	v51 =	vpop (erf)  }
0x183: {  	v1 =	vmul.f32 $1.989999970e-02, v51;
	_ =	sdelay $0x1  }
0x184: {  	v1 =	vadd.f32 $9.999999740e-05, v1;
	_ =	sdelay $0x1  }
0x185: {  	[tilespmem:$0x768] =	vst v1  }
0x186: {  	v0 =	vld.idx.msk [tilespmem:v50+s3+$0x0], $0xffff;
	_ =	sdelay $0x4  }
0x187: {  	v0 =	vsub.f32 $0.0e+00, v0;
	_ =	sdelay $0x1  }
0x188: {  	v0 =	vmul.f32 $1.442695020e+00, v0;
	_ =	sdelay $0x1  }
0x189: {  	(erf) = vpow2.f32 v0;
	_ =	sdelay $0x8  }
0x18a: {  	v0 =	vpop (erf)  }
0x18b: {  	v0 =	vadd.f32 $1.000000000e+00, v0;
	_ =	sdelay $0x1  }
0x18c: {  	(erf) = vrcp.f32 v0;
	_ =	sdelay $0x6  }
0x18d: {  	v52 =	vld [tilespmem:$0x988];
	_ =	sdelay $0x1  }
0x18e: {  	v53 =	vpop (erf)  }
0x18f: {  	v1 =	vmul.f32 $1.989999970e-02, v53;
	_ =	sdelay $0x1  }
0x190: {  	v1 =	vadd.f32 $9.999999740e-05, v1;
	_ =	sdelay $0x1  }
0x191: {  	[tilespmem:$0x778] =	vst v1  }
0x192: {  	v0 =	vld.idx.msk [tilespmem:v52+s3+$0x0], $0xffff;
	_ =	sdelay $0x4  }
0x193: {  	v0 =	vsub.f32 $0.0e+00, v0;
	_ =	sdelay $0x1  }
0x194: {  	v0 =	vmul.f32 $1.442695020e+00, v0;
	_ =	sdelay $0x1  }
0x195: {  	(erf) = vpow2.f32 v0;
	_ =	sdelay $0x8  }
0x196: {  	v0 =	vpop (erf)  }
0x197: {  	v0 =	vadd.f32 $1.000000000e+00, v0;
	_ =	sdelay $0x1  }
0x198: {  	(erf) = vrcp.f32 v0;
	_ =	sdelay $0x6  }
0x199: {  	v54 =	vld [tilespmem:$0x998];
	_ =	sdelay $0x1  }
0x19a: {  	v55 =	vpop (erf)  }
0x19b: {  	v1 =	vmul.f32 $1.989999970e-02, v55;
	_ =	sdelay $0x1  }
0x19c: {  	v1 =	vadd.f32 $9.999999740e-05, v1;
	_ =	sdelay $0x1  }
0x19d: {  	[tilespmem:$0x788] =	vst v1  }
0x19e: {  	v0 =	vld.idx.msk [tilespmem:v54+s3+$0x0], $0xffff;
	_ =	sdelay $0x4  }
0x19f: {  	v0 =	vsub.f32 $0.0e+00, v0;
	_ =	sdelay $0x1  }
0x1a0: {  	v0 =	vmul.f32 $1.442695020e+00, v0;
	_ =	sdelay $0x1  }
0x1a1: {  	(erf) = vpow2.f32 v0;
	_ =	sdelay $0x8  }
0x1a2: {  	v0 =	vpop (erf)  }
0x1a3: {  	v0 =	vadd.f32 $1.000000000e+00, v0;
	_ =	sdelay $0x1  }
0x1a4: {  	(erf) = vrcp.f32 v0;
	_ =	sdelay $0x6  }
0x1a5: {  	v56 =	vld [tilespmem:$0x9A8];
	_ =	sdelay $0x1  }
0x1a6: {  	v57 =	vpop (erf)  }
0x1a7: {  	v1 =	vmul.f32 $1.989999970e-02, v57;
	_ =	sdelay $0x1  }
0x1a8: {  	v1 =	vadd.f32 $9.999999740e-05, v1;
	_ =	sdelay $0x1  }
0x1a9: {  	[tilespmem:$0x798] =	vst v1  }
0x1aa: {  	v0 =	vld.idx.msk [tilespmem:v56+s3+$0x0], $0xffff;
	_ =	sdelay $0x4  }
0x1ab: {  	v0 =	vsub.f32 $0.0e+00, v0;
	_ =	sdelay $0x1  }
0x1ac: {  	v0 =	vmul.f32 $1.442695020e+00, v0;
	_ =	sdelay $0x1  }
0x1ad: {  	(erf) = vpow2.f32 v0;
	_ =	sdelay $0x8  }
0x1ae: {  	v0 =	vpop (erf)  }
0x1af: {  	v0 =	vadd.f32 $1.000000000e+00, v0;
	_ =	sdelay $0x1  }
0x1b0: {  	(erf) = vrcp.f32 v0;
	_ =	sdelay $0x6  }
0x1b1: {  	v58 =	vld [tilespmem:$0x9B8];
	_ =	sdelay $0x1  }
0x1b2: {  	v59 =	vpop (erf)  }
0x1b3: {  	v1 =	vmul.f32 $1.989999970e-02, v59;
	_ =	sdelay $0x1  }
0x1b4: {  	v1 =	vadd.f32 $9.999999740e-05, v1;
	_ =	sdelay $0x1  }
0x1b5: {  	[tilespmem:$0x7A8] =	vst v1  }
0x1b6: {  	v0 =	vld.idx.msk [tilespmem:v58+s3+$0x0], $0xffff;
	_ =	sdelay $0x4  }
0x1b7: {  	v0 =	vsub.f32 $0.0e+00, v0;
	_ =	sdelay $0x1  }
0x1b8: {  	v0 =	vmul.f32 $1.442695020e+00, v0;
	_ =	sdelay $0x1  }
0x1b9: {  	(erf) = vpow2.f32 v0;
	_ =	sdelay $0x8  }
0x1ba: {  	v0 =	vpop (erf)  }
0x1bb: {  	v0 =	vadd.f32 $1.000000000e+00, v0;
	_ =	sdelay $0x1  }
0x1bc: {  	(erf) = vrcp.f32 v0;
	_ =	sdelay $0x6  }
0x1bd: {  	v60 =	vld [tilespmem:$0x9C8];
	_ =	sdelay $0x1  }
0x1be: {  	v61 =	vpop (erf)  }
0x1bf: {  	v1 =	vmul.f32 $1.989999970e-02, v61;
	_ =	sdelay $0x1  }
0x1c0: {  	v1 =	vadd.f32 $9.999999740e-05, v1;
	_ =	sdelay $0x1  }
0x1c1: {  	[tilespmem:$0x7B8] =	vst v1  }
0x1c2: {  	v0 =	vld.idx.msk [tilespmem:v60+s3+$0x0], $0xffff;
	_ =	sdelay $0x4  }
0x1c3: {  	v0 =	vsub.f32 $0.0e+00, v0;
	_ =	sdelay $0x1  }
0x1c4: {  	v0 =	vmul.f32 $1.442695020e+00, v0;
	_ =	sdelay $0x1  }
0x1c5: {  	(erf) = vpow2.f32 v0;
	_ =	sdelay $0x8  }
0x1c6: {  	v0 =	vpop (erf)  }
0x1c7: {  	v0 =	vadd.f32 $1.000000000e+00, v0;
	_ =	sdelay $0x1  }
0x1c8: {  	(erf) = vrcp.f32 v0;
	_ =	sdelay $0x6  }
0x1c9: {  	v62 =	vld [tilespmem:$0x9D8];
	_ =	sdelay $0x1  }
0x1ca: {  	v63 =	vpop (erf)  }
0x1cb: {  	v1 =	vmul.f32 $1.989999970e-02, v63;
	_ =	sdelay $0x1  }
0x1cc: {  	v1 =	vadd.f32 $9.999999740e-05, v1;
	_ =	sdelay $0x1  }
0x1cd: {  	[tilespmem:$0x7C8] =	vst v1  }
0x1ce: {  	v0 =	vld.idx.msk [tilespmem:v62+s3+$0x0], $0xffff;
	_ =	sdelay $0x4  }
0x1cf: {  	v0 =	vsub.f32 $0.0e+00, v0;
	_ =	sdelay $0x1  }
0x1d0: {  	v0 =	vmul.f32 $1.442695020e+00, v0;
	_ =	sdelay $0x1  }
0x1d1: {  	(erf) = vpow2.f32 v0;
	_ =	sdelay $0x8  }
0x1d2: {  	v0 =	vpop (erf)  }
0x1d3: {  	v0 =	vadd.f32 $1.000000000e+00, v0;
	_ =	sdelay $0x1  }
0x1d4: {  	(erf) = vrcp.f32 v0;
	_ =	sdelay $0x8  }
0x1d5: {  	v0 =	vpop (erf)  }
0x1d6: {  	v0 =	vmul.f32 $1.989999970e-02, v0;
	_ =	sdelay $0x1  }
0x1d7: {  	v0 =	vadd.f32 $9.999999740e-05, v0;
	_ =	sdelay $0x1  }
0x1d8: {  	[tilespmem:$0x7D8] =	vst v0  }
0x1d9: {  	[hbm4b:s6+s3] =	stream.linear.scatter [tilespmem:s12], [sflag:$0x3], $0x100, $0x38;
	[tilespmem:$0x9E8] =	vst v63  }
0x1da: {  	p0 =	sne.s32 s7, $0x1;
	_ =	swait.ge [sflag:s13], $0x100  }
.Ltmp0:
0x1db: {  	[sflag:s13] =	ssyncset.done $0x0;
	(pc) =	sbr.rel @p0 .LBB2_1-.Ltmp0, $4  }
0x1dc: {  	[sflag:s13] =	ssyncadd.s32 $0xFFFFFF00  }
0x1dd: {  	_ =	swait.ge [sflag:s13], $0x100  }
0x1de: {  	[sflag:s13] =	ssyncset.done $0x0  }
0x1df: {  	s7 =	sadd.s32 $0xFFFFFFFF, s7;
	[sflag:s13] =	ssyncadd.s32 $0xFFFFFF00  }
0x1e0: {  	_ =	sfence.sel $0x180000  }
0x1e1: {  	[bflag:$0x0] =	sbarrier.arrive $0xFFFF  }
0x1e2: {  	p0 =	sne.s32 s2, $0x0;
	_ =	strace $0x90000047  }
0x1e3: {  	s0 =	sadd.s32 @!p0 $0x100000, s0;
	[bflag:$0x2] =	sbarrier.arrive $0xFFFF  }
0x1e4: {  	[sflag:s0] =	ssyncadd.tile.s32 @!p0 $0x1;
	_ =	shalt  }
.Lfunc_end2:
_tile_overlayer_lowered:
.L_overlay_start_2:
0x1e5: {  	(tag) =	ssettag $0x2  }
0x1e6: {  	s0 =	rddreg [dreg:$0x0];
	s2 =	stileid.u32  }
0x1e7: {  	s1 =	rddreg [dreg:$0x1];
	p0 =	sne.s32 s2, $0x0  }
0x1e8: {  	s3 =	rddreg [dreg:$0x2];
	[bflag:$0x3] =	sbarrier.arrive $0xFFFF;
	s2 =	simm.s32 @!p0 $0x1C04  }
0x1e9: {  	[timem:s3], [sflag:s2] =	dma.local @!p0 [hbm:s0], s1  }
0x1ea: {  	s0 =	simm.s32 @!p0 $0x4  }
0x1eb: {  	_ =	swait.ge @!p0 [sflag:s0], s1  }
0x1ec: {  	s1 =	ssub.s32 @!p0 $0x0, s1;
	[sflag:s0] =	ssyncset.done @!p0 $0x0  }
0x1ed: {  	[sflag:s0] =	ssyncadd.s32 @!p0 s1  }
0x1ee: {  	[bflag:$0x3] =	sbarrier.arrive $0xFFFF  }
0x1ef: {  	_ =	shalt  }

</sc_bundles>
